<compile_context>
chip_gen: v7x
topology: tpu7x:2x2x1
jax: 0.10.2.dev20260603
libtpu: 0.0.44.dev20260713+nightly
codegen_flags: <defaults>
</compile_context>

<pallas_src>
import jax
import jax.numpy as jnp
from jax import lax
from jax.experimental import pallas as pl
from jax.experimental.pallas import tpu as pltpu
from jax.experimental.pallas import tpu_sc as plsc

B = 4096
L = 50
E = 64
W = 5
M = B * L
NC = 2
NS = 16
NW = NC * NS
LANES = 16
IW = 128
T = 128
NR = (T * W) // IW
VOCAB = 100000
WP = 8
HV = VOCAB // 2
SHR = HV + 16
ZROW = HV

PER_WA = M // NW
NTA = PER_WA // T
PER_SB = M // NS
NTB = PER_SB // T


def _phase_a(sem_hbm, s2w_hbm, widx_hbm, recip_hbm, sem_v, words_v, wfl_v,
             recip_v, map_sp):
    cid = lax.axis_index("c")
    sid = lax.axis_index("s")
    wid = sid * NC + cid
    base0 = wid * PER_WA

    rows_pt = VOCAB // NS
    pltpu.sync_copy(
        s2w_hbm.at[pl.ds(sid * rows_pt, rows_pt)],
        map_sp.at[pl.ds(sid * rows_pt, rows_pt)],
    )
    plsc.subcore_barrier()

    zi16 = jnp.full((LANES,), 0, jnp.int32)
    hv16 = jnp.full((LANES,), HV, jnp.int32)
    zrow16 = jnp.full((LANES,), ZROW, jnp.int32)
    hvm1 = jnp.full((LANES,), HV - 1, jnp.int32)
    wv = jnp.full((LANES,), W, jnp.int32)

    def tile(g, carry):
        base = base0 + g * T
        pltpu.sync_copy(sem_hbm.at[pl.ds(base, T)], sem_v.at[0])
        pltpu.sync_copy(map_sp.at[sem_v.at[0]], words_v)

        for r in range(NR):
            def flat(k2, c2):
                p = lax.iota(jnp.int32, 16) + jnp.full(
                    (LANES,), r * IW + k2 * LANES, jnp.int32
                )
                items = lax.div(p, wv)
                j = p - items * wv
                w = plsc.load_gather(words_v, [items, j])
                lid0 = jnp.where(w < hv16, w, zrow16)
                lid1 = jnp.where(w >= hv16, w - hvm1, zi16)
                wfl_v[0, r, pl.ds(k2 * LANES, LANES)] = lid0
                wfl_v[1, r, pl.ds(k2 * LANES, LANES)] = lid1
                return c2

            lax.fori_loop(0, IW // LANES, flat, 0, unroll=False)

        def grp(i, c2):
            rows = lax.iota(jnp.int32, 16) + jnp.full((LANES,), i * LANES, jnp.int32)
            ones = jnp.full((LANES,), 1.0, jnp.float32)
            zeros = jnp.full((LANES,), 0.0, jnp.float32)
            cnt = zeros
            for j in range(W):
                col = jnp.full((LANES,), j, jnp.int32)
                w = plsc.load_gather(words_v, [rows, col])
                cnt = cnt + jnp.where(w != zi16, ones, zeros)
            eps = jnp.full((LANES,), 1e-6, jnp.float32)
            recip_v[pl.ds(i * LANES, LANES)] = ones / (cnt + eps)
            return c2

        lax.fori_loop(0, T // LANES, grp, 0, unroll=False)

        rbase = (base // IW) * W
        for c in range(NC):
            pltpu.sync_copy(wfl_v.at[c], widx_hbm.at[c, pl.ds(rbase, NR)])
        pltpu.sync_copy(recip_v, recip_hbm.at[pl.ds(base, T)])
        return carry

    lax.fori_loop(0, NTA, tile, 0, unroll=False)


def _phase_b(widx_hbm, recip_hbm, sh_hbm, out_hbm, wflat_v, gath_v, outs_v,
             recip_v, shard_sp, dsem):
    cid = lax.axis_index("c")
    sid = lax.axis_index("s")
    base0 = sid * PER_SB

    shr_pt = SHR // NS
    pltpu.sync_copy(
        sh_hbm.at[cid, pl.ds(sid * shr_pt, shr_pt)],
        shard_sp.at[pl.ds(sid * shr_pt, shr_pt)],
    )
    plsc.subcore_barrier()

    one16 = jnp.full((LANES,), 1, jnp.int32)
    sixteen = jnp.full((LANES,), 16, jnp.int32)
    himsk = jnp.full((LANES,), -65536, jnp.int32)
    ev_cols = jnp.full((LANES,), 2, jnp.int32) * lax.iota(jnp.int32, 16)

    def tile(g, carry):
        base = base0 + g * T
        rbase = (base // IW) * W
        pltpu.sync_copy(widx_hbm.at[cid, pl.ds(rbase, NR)], wflat_v)
        pltpu.sync_copy(recip_hbm.at[pl.ds(base, T)], recip_v)

        handles = [
            pltpu.async_copy(
                shard_sp.at[wflat_v.at[r]], gath_v.at[pl.ds(r * IW, IW)], dsem
            )
            for r in range(NR)
        ]
        for h in handles:
            h.wait()

        def item(t, c2):
            r = plsc.load_gather(recip_v, [jnp.full((LANES,), t, jnp.int32)])
            trow = jnp.full((LANES,), t, jnp.int32)
            for ch in range(2):
                acc = gath_v[t * W, pl.ds(ch * 32, 32)]
                for j in range(1, W):
                    acc = acc + gath_v[t * W + j, pl.ds(ch * 32, 32)]
                v = plsc.bitcast(acc, jnp.int32)
                even = plsc.bitcast(lax.shift_left(v, sixteen), jnp.float32) * r
                odd = plsc.bitcast(v & himsk, jnp.float32) * r
                base_c = jnp.full((LANES,), ch * 32, jnp.int32)
                plsc.store_scatter(outs_v, [trow, base_c + ev_cols], even)
                plsc.store_scatter(outs_v, [trow, base_c + ev_cols + one16], odd)
            return c2

        lax.fori_loop(0, T, item, 0, unroll=4)

        pltpu.sync_copy(outs_v, out_hbm.at[cid, pl.ds(base, T)])
        return carry

    lax.fori_loop(0, NTB, tile, 0, unroll=False)


def _combine(p_ref, o_ref):
    o_ref[...] = p_ref[0] + p_ref[1]


@jax.jit
def kernel(sememes, sememe_to_word, word_table):
    sem_flat = sememes.reshape(M)
    s2w_pad = jnp.concatenate(
        [sememe_to_word, jnp.zeros((VOCAB, WP - W), jnp.int32)], axis=1
    )
    row_ids = lax.broadcasted_iota(jnp.int32, (VOCAB, 1), 0)
    wtb = (word_table * (row_ids != 0)).astype(jnp.bfloat16)
    zpad = jnp.zeros((SHR - HV, E), jnp.bfloat16)
    sh0 = jnp.concatenate([wtb[:HV], zpad], axis=0)
    sh1 = jnp.concatenate(
        [jnp.zeros((1, E), jnp.bfloat16), wtb[HV:], zpad[1:]], axis=0
    )
    sh = jnp.stack([sh0, sh1])

    mesh = plsc.VectorSubcoreMesh(core_axis_name="c", subcore_axis_name="s", num_cores=2)
    sc_params = pltpu.CompilerParams(
        needs_layout_passes=False, use_tc_tiling_on_sc=False
    )

    fa = pl.kernel(
        _phase_a,
        out_type=(
            jax.ShapeDtypeStruct((NC, M * W // IW, IW), jnp.int32),
            jax.ShapeDtypeStruct((M,), jnp.float32),
        ),
        scratch_types=[
            pltpu.VMEM((1, IW), jnp.int32),
            pltpu.VMEM((T, WP), jnp.int32),
            pltpu.VMEM((NC, NR, IW), jnp.int32),
            pltpu.VMEM((T,), jnp.float32),
            pltpu.VMEM_SHARED((VOCAB, WP), jnp.int32),
        ],
        mesh=mesh,
        compiler_params=sc_params,
    )
    widx, recip = fa(sem_flat, s2w_pad)

    fb = pl.kernel(
        _phase_b,
        out_type=jax.ShapeDtypeStruct((NC, M, E), jnp.float32),
        scratch_types=[
            pltpu.VMEM((NR, IW), jnp.int32),
            pltpu.VMEM((T * W, E), jnp.bfloat16),
            pltpu.VMEM((T, E), jnp.float32),
            pltpu.VMEM((T,), jnp.float32),
            pltpu.VMEM_SHARED((SHR, E), jnp.bfloat16),
            pltpu.SemaphoreType.DMA,
        ],
        mesh=mesh,
        compiler_params=sc_params,
    )
    partials = fb(widx, recip, sh)

    RB = 2048
    out = pl.pallas_call(
        _combine,
        out_shape=jax.ShapeDtypeStruct((M, E), jnp.float32),
        grid=(M // RB,),
        in_specs=[pl.BlockSpec((NC, RB, E), lambda i: (0, i, 0))],
        out_specs=pl.BlockSpec((RB, E), lambda i: (i, 0)),
    )(partials)
    return out.reshape(B, L, E)

# --- scband reference (transcript-rebuilt; emitter-appended) ---
"""Pipeline reference for scband-sememe-encoder-53738630808225 (READ-ONLY COPY).

The authoritative reference and input builder live on the scoring server;
editing this copy changes nothing except your own understanding.
"""

import jax, jax.numpy as jnp
import numpy as np

N_SEMEMES = 100000
WORD_VOCAB = 100000
EMBED_DIM = 64
MAX_WORD_LEN = 5
PAD = 0
BATCH = 4096
SEQ = 50


def setup_inputs(seed: int = 0) -> dict:
    key = jax.random.key(seed)
    k1, k2, k3, k4 = jax.random.split(key, 4)
    # sememe ids to look up: [B, L]
    sememes = jax.random.randint(k1, (BATCH, SEQ), 0, N_SEMEMES, dtype=jnp.int32)
    # sememe -> constituent word ids mapping table [N_SEMEMES, MAX_WORD_LEN]
    # each sememe has between 1 and MAX_WORD_LEN real words, rest padded with PAD=0
    raw_words = jax.random.randint(k2, (N_SEMEMES, MAX_WORD_LEN), 1, WORD_VOCAB, dtype=jnp.int32)
    lengths = jax.random.randint(k3, (N_SEMEMES, 1), 1, MAX_WORD_LEN + 1, dtype=jnp.int32)
    pos = jnp.arange(MAX_WORD_LEN, dtype=jnp.int32)[None, :]
    sememe_to_word = jnp.where(pos < lengths, raw_words, PAD)
    # pretrained word embedding table [WORD_VOCAB, EMBED_DIM]
    word_table = jax.random.normal(k4, (WORD_VOCAB, EMBED_DIM), dtype=jnp.float32) * 0.02
    return {"sememes": sememes, "sememe_to_word": sememe_to_word, "word_table": word_table}


def reference(sememes, sememe_to_word, word_table):
    # words: [B, L, MAX_WORD_LEN] -- gather from mapping table
    words = jnp.take(sememe_to_word, sememes, axis=0)
    words_mask = (words != PAD).astype(jnp.float32)  # [B, L, W]
    # word_embs: [B, L, W, E] -- embedding gather
    word_embs = jnp.take(word_table, words, axis=0)
    word_embs = word_embs * words_mask[..., None]
    word_embs = word_embs.sum(-2)  # [B, L, E]
    return word_embs / (words_mask.sum(2)[..., None] + 1e-06)

if __name__ == "__main__":
    import jax
    _d = setup_inputs()
    print(jax.jit(kernel)(*tuple(_d.values())))

</pallas_src>

<mosaic_0001>
#map = affine_map<(d0, d1) -> (0, 0, 0)>
#map1 = affine_map<(d0, d1) -> (0)>
module attributes {stable_mosaic.version = 14 : i64} {
  func.func @_phase_b(%arg0: i32, %arg1: i32, %arg2: memref<2x8000x128xi32, #tpu.memory_space<hbm>>, %arg3: memref<204800xf32, #tpu.memory_space<hbm>>, %arg4: memref<2x50016x64xbf16, #tpu.memory_space<hbm>>, %arg5: memref<2x204800x64xf32, #tpu.memory_space<hbm>>, %arg6: memref<5x128xi32, #tpu.memory_space<vmem>>, %arg7: memref<640x64xbf16, #tpu.memory_space<vmem>>, %arg8: memref<128x64xf32, #tpu.memory_space<vmem>>, %arg9: memref<128xf32, #tpu.memory_space<vmem>>, %arg10: memref<50016x64xbf16, #tpu.memory_space<vmem_shared>>, %arg11: memref<!tpu.dma_semaphore, #tpu.memory_space<semaphore_mem>>) attributes {dimension_semantics = [#tpu.dimension_semantics<core_parallel>, #tpu.dimension_semantics<subcore_parallel>], iteration_bounds = array<i64: 2, 16>, scalar_prefetch = 0 : i64, scratch_operands = 6 : i64, tpu.core_type = #tpu.core_type<sc_vector_subcore>, window_params = [{transform_indices = #map}, {transform_indices = #map1}, {transform_indices = #map}, {transform_indices = #map}]} {
    %mul3A = arith.constant 12800 : i32
    %mul3A_0 = arith.muli %arg1, %mul3A : i32
    %mul3A_1 = arith.constant 3126 : i32
    %mul3A_2 = arith.muli %arg1, %mul3A_1 : i32
    %mul3A_3 = arith.constant 3126 : i32
    %mul3A_4 = arith.muli %arg1, %mul3A_3 : i32
    "tpu.region"() ({
      %run_scoped3A = tpu.sem_alloc : memref<!tpu.dma_semaphore, #tpu.memory_space<semaphore_mem>>
      %dma_start3A = arith.constant 0 : i32
      %dma_start3A_18 = tpu.memref_slice %arg10[%mul3A_4, %dma_start3A] : memref<50016x64xbf16, #tpu.memory_space<vmem_shared>> -> memref<3126x64xbf16, #tpu.memory_space<vmem_shared>>
      %dma_start3A_19 = arith.constant 0 : i32
      %dma_start3A_20 = tpu.memref_slice %arg4[%arg0, %mul3A_2, %dma_start3A_19] : memref<2x50016x64xbf16, #tpu.memory_space<hbm>> -> memref<1x3126x64xbf16, #tpu.memory_space<hbm>>
      %dma_start3A_21 = tpu.memref_squeeze %dma_start3A_20 : memref<1x3126x64xbf16, #tpu.memory_space<hbm>> -> memref<3126x64xbf16, #tpu.memory_space<hbm>>
      tpu.enqueue_dma source(%dma_start3A_21 : memref<3126x64xbf16, #tpu.memory_space<hbm>>) target(%dma_start3A_18 : memref<3126x64xbf16, #tpu.memory_space<vmem_shared>>) target_semaphore(%run_scoped3A : memref<!tpu.dma_semaphore, #tpu.memory_space<semaphore_mem>>)
      %dma_wait3A = arith.constant 0 : i32
      %dma_wait3A_22 = tpu.memref_slice %arg10[%mul3A_4, %dma_wait3A] : memref<50016x64xbf16, #tpu.memory_space<vmem_shared>> -> memref<3126x64xbf16, #tpu.memory_space<vmem_shared>>
      %dma_wait3A_23 = arith.constant 0 : i32
      %dma_wait3A_24 = tpu.memref_slice %arg4[%arg0, %mul3A_2, %dma_wait3A_23] : memref<2x50016x64xbf16, #tpu.memory_space<hbm>> -> memref<1x3126x64xbf16, #tpu.memory_space<hbm>>
      %dma_wait3A_25 = tpu.memref_squeeze %dma_wait3A_24 : memref<1x3126x64xbf16, #tpu.memory_space<hbm>> -> memref<3126x64xbf16, #tpu.memory_space<hbm>>
      tpu.wait_dma2 semaphore(%run_scoped3A : memref<!tpu.dma_semaphore, #tpu.memory_space<semaphore_mem>>) src(%dma_wait3A_25 : memref<3126x64xbf16, #tpu.memory_space<hbm>>) dst(%dma_wait3A_22 : memref<3126x64xbf16, #tpu.memory_space<vmem_shared>>)
      tpu.yield
    }) : () -> ()
    %barrier3A = arith.constant 0 : index
    tpu.barrier barrier_id(%barrier3A)
    %broadcast_in_dim3A = arith.constant 1 : i32
    %broadcast_in_dim3A_5 = vector.broadcast %broadcast_in_dim3A : i32 to vector<16xi32>
    %broadcast_in_dim3A_6 = arith.constant 16 : i32
    %broadcast_in_dim3A_7 = vector.broadcast %broadcast_in_dim3A_6 : i32 to vector<16xi32>
    %broadcast_in_dim3A_8 = arith.constant -65536 : i32
    %broadcast_in_dim3A_9 = vector.broadcast %broadcast_in_dim3A_8 : i32 to vector<16xi32>
    %broadcast_in_dim3A_10 = arith.constant 2 : i32
    %broadcast_in_dim3A_11 = vector.broadcast %broadcast_in_dim3A_10 : i32 to vector<16xi32>
    %iota3A = tpu.iota {dimensions = array<i32: 0>} : vector<16xi32>
    %mul3A_12 = arith.muli %broadcast_in_dim3A_11, %iota3A : vector<16xi32>
    %scan3A = arith.constant 0 : i32
    %scan3A_13 = arith.constant 0 : i32
    %scan3A_14 = arith.constant 100 : i32
    %scan3A_15 = arith.addi %scan3A_13, %scan3A_14 : i32
    %scan3A_16 = arith.constant 1 : i32
    scf.for %scan3A_18 = %scan3A_13 to %scan3A_15 step %scan3A_16  : i32 {
      %mul3A_19 = arith.constant 128 : i32
      %mul3A_20 = arith.muli %scan3A_18, %mul3A_19 : i32
      %add3A = arith.addi %mul3A_0, %mul3A_20 : i32
      %jit3A = arith.constant 128 : i32
      %div3A = arith.divsi %add3A, %jit3A : i32
      %sign3A = arith.constant 0 : i32
      %sign3A_21 = arith.cmpi sgt, %add3A, %sign3A : i32
      %sign3A_22 = arith.extui %sign3A_21 : i1 to i32
      %sign3A_23 = arith.constant 0 : i32
      %sign3A_24 = arith.cmpi slt, %add3A, %sign3A_23 : i32
      %sign3A_25 = arith.extui %sign3A_24 : i1 to i32
      %sign3A_26 = arith.subi %sign3A_22, %sign3A_25 : i32
      %sign3A_27 = arith.constant 0 : i32
      %sign3A_28 = arith.cmpi sgt, %jit3A, %sign3A_27 : i32
      %sign3A_29 = arith.extui %sign3A_28 : i1 to i32
      %sign3A_30 = arith.constant 0 : i32
      %sign3A_31 = arith.cmpi slt, %jit3A, %sign3A_30 : i32
      %sign3A_32 = arith.extui %sign3A_31 : i1 to i32
      %sign3A_33 = arith.subi %sign3A_29, %sign3A_32 : i32
      %ne3A = arith.cmpi ne, %sign3A_26, %sign3A_33 : i32
      %rem3A = arith.remsi %add3A, %jit3A : i32
      %ne3A_34 = arith.constant 0 : i32
      %ne3A_35 = arith.cmpi ne, %rem3A, %ne3A_34 : i32
      %and3A = arith.andi %ne3A, %ne3A_35 : i1
      %sub3A = arith.constant 1 : i32
      %sub3A_36 = arith.subi %div3A, %sub3A : i32
      %select_n3A = arith.select %and3A, %sub3A_36, %div3A : i32
      %mul3A_37 = arith.constant 5 : i32
      %mul3A_38 = arith.muli %select_n3A, %mul3A_37 : i32
      "tpu.region"() ({
        %run_scoped3A = tpu.sem_alloc : memref<!tpu.dma_semaphore, #tpu.memory_space<semaphore_mem>>
        %dma_start3A_143 = arith.constant 0 : i32
        %dma_start3A_144 = tpu.memref_slice %arg2[%arg0, %mul3A_38, %dma_start3A_143] : memref<2x8000x128xi32, #tpu.memory_space<hbm>> -> memref<1x5x128xi32, #tpu.memory_space<hbm>>
        %dma_start3A_145 = tpu.memref_squeeze %dma_start3A_144 : memref<1x5x128xi32, #tpu.memory_space<hbm>> -> memref<5x128xi32, #tpu.memory_space<hbm>>
        %dma_start3A_146 = arith.constant 0 : i32
        %dma_start3A_147 = tpu.memref_slice %arg2[%arg0, %mul3A_38, %dma_start3A_146] : memref<2x8000x128xi32, #tpu.memory_space<hbm>> -> memref<1x5x128xi32, #tpu.memory_space<hbm>>
        %dma_start3A_148 = tpu.memref_squeeze %dma_start3A_147 : memref<1x5x128xi32, #tpu.memory_space<hbm>> -> memref<5x128xi32, #tpu.memory_space<hbm>>
        tpu.enqueue_dma source(%dma_start3A_148 : memref<5x128xi32, #tpu.memory_space<hbm>>) target(%arg6 : memref<5x128xi32, #tpu.memory_space<vmem>>) target_semaphore(%run_scoped3A : memref<!tpu.dma_semaphore, #tpu.memory_space<semaphore_mem>>)
        %dma_wait3A_149 = arith.constant 0 : i32
        %dma_wait3A_150 = tpu.memref_slice %arg2[%arg0, %mul3A_38, %dma_wait3A_149] : memref<2x8000x128xi32, #tpu.memory_space<hbm>> -> memref<1x5x128xi32, #tpu.memory_space<hbm>>
        %dma_wait3A_151 = tpu.memref_squeeze %dma_wait3A_150 : memref<1x5x128xi32, #tpu.memory_space<hbm>> -> memref<5x128xi32, #tpu.memory_space<hbm>>
        %dma_wait3A_152 = arith.constant 0 : i32
        %dma_wait3A_153 = tpu.memref_slice %arg2[%arg0, %mul3A_38, %dma_wait3A_152] : memref<2x8000x128xi32, #tpu.memory_space<hbm>> -> memref<1x5x128xi32, #tpu.memory_space<hbm>>
        %dma_wait3A_154 = tpu.memref_squeeze %dma_wait3A_153 : memref<1x5x128xi32, #tpu.memory_space<hbm>> -> memref<5x128xi32, #tpu.memory_space<hbm>>
        tpu.wait_dma2 semaphore(%run_scoped3A : memref<!tpu.dma_semaphore, #tpu.memory_space<semaphore_mem>>) src(%dma_wait3A_154 : memref<5x128xi32, #tpu.memory_space<hbm>>) dst(%arg6 : memref<5x128xi32, #tpu.memory_space<vmem>>)
        tpu.yield
      }) : () -> ()
      "tpu.region"() ({
        %run_scoped3A = tpu.sem_alloc : memref<!tpu.dma_semaphore, #tpu.memory_space<semaphore_mem>>
        %dma_start3A_143 = tpu.memref_slice %arg3[%add3A] : memref<204800xf32, #tpu.memory_space<hbm>> -> memref<128xf32, #tpu.memory_space<hbm>>
        %dma_start3A_144 = tpu.memref_slice %arg3[%add3A] : memref<204800xf32, #tpu.memory_space<hbm>> -> memref<128xf32, #tpu.memory_space<hbm>>
        tpu.enqueue_dma source(%dma_start3A_144 : memref<128xf32, #tpu.memory_space<hbm>>) target(%arg9 : memref<128xf32, #tpu.memory_space<vmem>>) target_semaphore(%run_scoped3A : memref<!tpu.dma_semaphore, #tpu.memory_space<semaphore_mem>>)
        %dma_wait3A_145 = tpu.memref_slice %arg3[%add3A] : memref<204800xf32, #tpu.memory_space<hbm>> -> memref<128xf32, #tpu.memory_space<hbm>>
        %dma_wait3A_146 = tpu.memref_slice %arg3[%add3A] : memref<204800xf32, #tpu.memory_space<hbm>> -> memref<128xf32, #tpu.memory_space<hbm>>
        tpu.wait_dma2 semaphore(%run_scoped3A : memref<!tpu.dma_semaphore, #tpu.memory_space<semaphore_mem>>) src(%dma_wait3A_146 : memref<128xf32, #tpu.memory_space<hbm>>) dst(%arg9 : memref<128xf32, #tpu.memory_space<vmem>>)
        tpu.yield
      }) : () -> ()
      %dma_start3A = arith.constant 0 : i32
      %dma_start3A_39 = arith.constant 0 : i32
      %dma_start3A_40 = arith.constant 0 : i32
      %dma_start3A_41 = tpu.memref_slice %arg7[%dma_start3A_39, %dma_start3A_40] : memref<640x64xbf16, #tpu.memory_space<vmem>> -> memref<128x64xbf16, #tpu.memory_space<vmem>>
      %dma_start3A_42 = arith.constant 0 : i32
      %dma_start3A_43 = tpu.memref_slice %arg6[%dma_start3A, %dma_start3A_42] : memref<5x128xi32, #tpu.memory_space<vmem>> -> memref<1x128xi32, #tpu.memory_space<vmem>>
      %dma_start3A_44 = tpu.memref_squeeze %dma_start3A_43 : memref<1x128xi32, #tpu.memory_space<vmem>> -> memref<128xi32, #tpu.memory_space<vmem>>
      %dma_start3A_45 = arith.constant 0 : i32
      %dma_start3A_46 = arith.constant 0 : i32
      %dma_start3A_47 = tpu.memref_slice %arg10[%dma_start3A_45, %dma_start3A_46] : memref<50016x64xbf16, #tpu.memory_space<vmem_shared>> -> memref<50016x64xbf16, #tpu.memory_space<vmem_shared>>
      tpu.enqueue_indirect_dma source(%dma_start3A_47 : memref<50016x64xbf16, #tpu.memory_space<vmem_shared>>) target(%dma_start3A_41 : memref<128x64xbf16, #tpu.memory_space<vmem>>) offsets(%dma_start3A_44 : memref<128xi32, #tpu.memory_space<vmem>>) semaphore(%arg11 : memref<!tpu.dma_semaphore, #tpu.memory_space<semaphore_mem>>)
      %dma_start3A_48 = arith.constant 1 : i32
      %dma_start3A_49 = arith.constant 128 : i32
      %dma_start3A_50 = arith.constant 0 : i32
      %dma_start3A_51 = tpu.memref_slice %arg7[%dma_start3A_49, %dma_start3A_50] : memref<640x64xbf16, #tpu.memory_space<vmem>> -> memref<128x64xbf16, #tpu.memory_space<vmem>>
      %dma_start3A_52 = arith.constant 0 : i32
      %dma_start3A_53 = tpu.memref_slice %arg6[%dma_start3A_48, %dma_start3A_52] : memref<5x128xi32, #tpu.memory_space<vmem>> -> memref<1x128xi32, #tpu.memory_space<vmem>>
      %dma_start3A_54 = tpu.memref_squeeze %dma_start3A_53 : memref<1x128xi32, #tpu.memory_space<vmem>> -> memref<128xi32, #tpu.memory_space<vmem>>
      %dma_start3A_55 = arith.constant 0 : i32
      %dma_start3A_56 = arith.constant 0 : i32
      %dma_start3A_57 = tpu.memref_slice %arg10[%dma_start3A_55, %dma_start3A_56] : memref<50016x64xbf16, #tpu.memory_space<vmem_shared>> -> memref<50016x64xbf16, #tpu.memory_space<vmem_shared>>
      tpu.enqueue_indirect_dma source(%dma_start3A_57 : memref<50016x64xbf16, #tpu.memory_space<vmem_shared>>) target(%dma_start3A_51 : memref<128x64xbf16, #tpu.memory_space<vmem>>) offsets(%dma_start3A_54 : memref<128xi32, #tpu.memory_space<vmem>>) semaphore(%arg11 : memref<!tpu.dma_semaphore, #tpu.memory_space<semaphore_mem>>)
      %dma_start3A_58 = arith.constant 2 : i32
      %dma_start3A_59 = arith.constant 256 : i32
      %dma_start3A_60 = arith.constant 0 : i32
      %dma_start3A_61 = tpu.memref_slice %arg7[%dma_start3A_59, %dma_start3A_60] : memref<640x64xbf16, #tpu.memory_space<vmem>> -> memref<128x64xbf16, #tpu.memory_space<vmem>>
      %dma_start3A_62 = arith.constant 0 : i32
      %dma_start3A_63 = tpu.memref_slice %arg6[%dma_start3A_58, %dma_start3A_62] : memref<5x128xi32, #tpu.memory_space<vmem>> -> memref<1x128xi32, #tpu.memory_space<vmem>>
      %dma_start3A_64 = tpu.memref_squeeze %dma_start3A_63 : memref<1x128xi32, #tpu.memory_space<vmem>> -> memref<128xi32, #tpu.memory_space<vmem>>
      %dma_start3A_65 = arith.constant 0 : i32
      %dma_start3A_66 = arith.constant 0 : i32
      %dma_start3A_67 = tpu.memref_slice %arg10[%dma_start3A_65, %dma_start3A_66] : memref<50016x64xbf16, #tpu.memory_space<vmem_shared>> -> memref<50016x64xbf16, #tpu.memory_space<vmem_shared>>
      tpu.enqueue_indirect_dma source(%dma_start3A_67 : memref<50016x64xbf16, #tpu.memory_space<vmem_shared>>) target(%dma_start3A_61 : memref<128x64xbf16, #tpu.memory_space<vmem>>) offsets(%dma_start3A_64 : memref<128xi32, #tpu.memory_space<vmem>>) semaphore(%arg11 : memref<!tpu.dma_semaphore, #tpu.memory_space<semaphore_mem>>)
      %dma_start3A_68 = arith.constant 3 : i32
      %dma_start3A_69 = arith.constant 384 : i32
      %dma_start3A_70 = arith.constant 0 : i32
      %dma_start3A_71 = tpu.memref_slice %arg7[%dma_start3A_69, %dma_start3A_70] : memref<640x64xbf16, #tpu.memory_space<vmem>> -> memref<128x64xbf16, #tpu.memory_space<vmem>>
      %dma_start3A_72 = arith.constant 0 : i32
      %dma_start3A_73 = tpu.memref_slice %arg6[%dma_start3A_68, %dma_start3A_72] : memref<5x128xi32, #tpu.memory_space<vmem>> -> memref<1x128xi32, #tpu.memory_space<vmem>>
      %dma_start3A_74 = tpu.memref_squeeze %dma_start3A_73 : memref<1x128xi32, #tpu.memory_space<vmem>> -> memref<128xi32, #tpu.memory_space<vmem>>
      %dma_start3A_75 = arith.constant 0 : i32
      %dma_start3A_76 = arith.constant 0 : i32
      %dma_start3A_77 = tpu.memref_slice %arg10[%dma_start3A_75, %dma_start3A_76] : memref<50016x64xbf16, #tpu.memory_space<vmem_shared>> -> memref<50016x64xbf16, #tpu.memory_space<vmem_shared>>
      tpu.enqueue_indirect_dma source(%dma_start3A_77 : memref<50016x64xbf16, #tpu.memory_space<vmem_shared>>) target(%dma_start3A_71 : memref<128x64xbf16, #tpu.memory_space<vmem>>) offsets(%dma_start3A_74 : memref<128xi32, #tpu.memory_space<vmem>>) semaphore(%arg11 : memref<!tpu.dma_semaphore, #tpu.memory_space<semaphore_mem>>)
      %dma_start3A_78 = arith.constant 4 : i32
      %dma_start3A_79 = arith.constant 512 : i32
      %dma_start3A_80 = arith.constant 0 : i32
      %dma_start3A_81 = tpu.memref_slice %arg7[%dma_start3A_79, %dma_start3A_80] : memref<640x64xbf16, #tpu.memory_space<vmem>> -> memref<128x64xbf16, #tpu.memory_space<vmem>>
      %dma_start3A_82 = arith.constant 0 : i32
      %dma_start3A_83 = tpu.memref_slice %arg6[%dma_start3A_78, %dma_start3A_82] : memref<5x128xi32, #tpu.memory_space<vmem>> -> memref<1x128xi32, #tpu.memory_space<vmem>>
      %dma_start3A_84 = tpu.memref_squeeze %dma_start3A_83 : memref<1x128xi32, #tpu.memory_space<vmem>> -> memref<128xi32, #tpu.memory_space<vmem>>
      %dma_start3A_85 = arith.constant 0 : i32
      %dma_start3A_86 = arith.constant 0 : i32
      %dma_start3A_87 = tpu.memref_slice %arg10[%dma_start3A_85, %dma_start3A_86] : memref<50016x64xbf16, #tpu.memory_space<vmem_shared>> -> memref<50016x64xbf16, #tpu.memory_space<vmem_shared>>
      tpu.enqueue_indirect_dma source(%dma_start3A_87 : memref<50016x64xbf16, #tpu.memory_space<vmem_shared>>) target(%dma_start3A_81 : memref<128x64xbf16, #tpu.memory_space<vmem>>) offsets(%dma_start3A_84 : memref<128xi32, #tpu.memory_space<vmem>>) semaphore(%arg11 : memref<!tpu.dma_semaphore, #tpu.memory_space<semaphore_mem>>)
      %dma_wait3A = arith.constant 0 : i32
      %dma_wait3A_88 = arith.constant 0 : i32
      %dma_wait3A_89 = arith.constant 0 : i32
      %dma_wait3A_90 = tpu.memref_slice %arg7[%dma_wait3A_88, %dma_wait3A_89] : memref<640x64xbf16, #tpu.memory_space<vmem>> -> memref<128x64xbf16, #tpu.memory_space<vmem>>
      %dma_wait3A_91 = arith.constant 0 : i32
      %dma_wait3A_92 = tpu.memref_slice %arg6[%dma_wait3A, %dma_wait3A_91] : memref<5x128xi32, #tpu.memory_space<vmem>> -> memref<1x128xi32, #tpu.memory_space<vmem>>
      %dma_wait3A_93 = tpu.memref_squeeze %dma_wait3A_92 : memref<1x128xi32, #tpu.memory_space<vmem>> -> memref<128xi32, #tpu.memory_space<vmem>>
      %dma_wait3A_94 = arith.constant 0 : i32
      %dma_wait3A_95 = arith.constant 0 : i32
      %dma_wait3A_96 = tpu.memref_slice %arg10[%dma_wait3A_94, %dma_wait3A_95] : memref<50016x64xbf16, #tpu.memory_space<vmem_shared>> -> memref<50016x64xbf16, #tpu.memory_space<vmem_shared>>
      tpu.wait_indirect_dma semaphore(%arg11 : memref<!tpu.dma_semaphore, #tpu.memory_space<semaphore_mem>>) src(%dma_wait3A_96 : memref<50016x64xbf16, #tpu.memory_space<vmem_shared>>) dst(%dma_wait3A_90 : memref<128x64xbf16, #tpu.memory_space<vmem>>)
      %dma_wait3A_97 = arith.constant 1 : i32
      %dma_wait3A_98 = arith.constant 128 : i32
      %dma_wait3A_99 = arith.constant 0 : i32
      %dma_wait3A_100 = tpu.memref_slice %arg7[%dma_wait3A_98, %dma_wait3A_99] : memref<640x64xbf16, #tpu.memory_space<vmem>> -> memref<128x64xbf16, #tpu.memory_space<vmem>>
      %dma_wait3A_101 = arith.constant 0 : i32
      %dma_wait3A_102 = tpu.memref_slice %arg6[%dma_wait3A_97, %dma_wait3A_101] : memref<5x128xi32, #tpu.memory_space<vmem>> -> memref<1x128xi32, #tpu.memory_space<vmem>>
      %dma_wait3A_103 = tpu.memref_squeeze %dma_wait3A_102 : memref<1x128xi32, #tpu.memory_space<vmem>> -> memref<128xi32, #tpu.memory_space<vmem>>
      %dma_wait3A_104 = arith.constant 0 : i32
      %dma_wait3A_105 = arith.constant 0 : i32
      %dma_wait3A_106 = tpu.memref_slice %arg10[%dma_wait3A_104, %dma_wait3A_105] : memref<50016x64xbf16, #tpu.memory_space<vmem_shared>> -> memref<50016x64xbf16, #tpu.memory_space<vmem_shared>>
      tpu.wait_indirect_dma semaphore(%arg11 : memref<!tpu.dma_semaphore, #tpu.memory_space<semaphore_mem>>) src(%dma_wait3A_106 : memref<50016x64xbf16, #tpu.memory_space<vmem_shared>>) dst(%dma_wait3A_100 : memref<128x64xbf16, #tpu.memory_space<vmem>>)
      %dma_wait3A_107 = arith.constant 2 : i32
      %dma_wait3A_108 = arith.constant 256 : i32
      %dma_wait3A_109 = arith.constant 0 : i32
      %dma_wait3A_110 = tpu.memref_slice %arg7[%dma_wait3A_108, %dma_wait3A_109] : memref<640x64xbf16, #tpu.memory_space<vmem>> -> memref<128x64xbf16, #tpu.memory_space<vmem>>
      %dma_wait3A_111 = arith.constant 0 : i32
      %dma_wait3A_112 = tpu.memref_slice %arg6[%dma_wait3A_107, %dma_wait3A_111] : memref<5x128xi32, #tpu.memory_space<vmem>> -> memref<1x128xi32, #tpu.memory_space<vmem>>
      %dma_wait3A_113 = tpu.memref_squeeze %dma_wait3A_112 : memref<1x128xi32, #tpu.memory_space<vmem>> -> memref<128xi32, #tpu.memory_space<vmem>>
      %dma_wait3A_114 = arith.constant 0 : i32
      %dma_wait3A_115 = arith.constant 0 : i32
      %dma_wait3A_116 = tpu.memref_slice %arg10[%dma_wait3A_114, %dma_wait3A_115] : memref<50016x64xbf16, #tpu.memory_space<vmem_shared>> -> memref<50016x64xbf16, #tpu.memory_space<vmem_shared>>
      tpu.wait_indirect_dma semaphore(%arg11 : memref<!tpu.dma_semaphore, #tpu.memory_space<semaphore_mem>>) src(%dma_wait3A_116 : memref<50016x64xbf16, #tpu.memory_space<vmem_shared>>) dst(%dma_wait3A_110 : memref<128x64xbf16, #tpu.memory_space<vmem>>)
      %dma_wait3A_117 = arith.constant 3 : i32
      %dma_wait3A_118 = arith.constant 384 : i32
      %dma_wait3A_119 = arith.constant 0 : i32
      %dma_wait3A_120 = tpu.memref_slice %arg7[%dma_wait3A_118, %dma_wait3A_119] : memref<640x64xbf16, #tpu.memory_space<vmem>> -> memref<128x64xbf16, #tpu.memory_space<vmem>>
      %dma_wait3A_121 = arith.constant 0 : i32
      %dma_wait3A_122 = tpu.memref_slice %arg6[%dma_wait3A_117, %dma_wait3A_121] : memref<5x128xi32, #tpu.memory_space<vmem>> -> memref<1x128xi32, #tpu.memory_space<vmem>>
      %dma_wait3A_123 = tpu.memref_squeeze %dma_wait3A_122 : memref<1x128xi32, #tpu.memory_space<vmem>> -> memref<128xi32, #tpu.memory_space<vmem>>
      %dma_wait3A_124 = arith.constant 0 : i32
      %dma_wait3A_125 = arith.constant 0 : i32
      %dma_wait3A_126 = tpu.memref_slice %arg10[%dma_wait3A_124, %dma_wait3A_125] : memref<50016x64xbf16, #tpu.memory_space<vmem_shared>> -> memref<50016x64xbf16, #tpu.memory_space<vmem_shared>>
      tpu.wait_indirect_dma semaphore(%arg11 : memref<!tpu.dma_semaphore, #tpu.memory_space<semaphore_mem>>) src(%dma_wait3A_126 : memref<50016x64xbf16, #tpu.memory_space<vmem_shared>>) dst(%dma_wait3A_120 : memref<128x64xbf16, #tpu.memory_space<vmem>>)
      %dma_wait3A_127 = arith.constant 4 : i32
      %dma_wait3A_128 = arith.constant 512 : i32
      %dma_wait3A_129 = arith.constant 0 : i32
      %dma_wait3A_130 = tpu.memref_slice %arg7[%dma_wait3A_128, %dma_wait3A_129] : memref<640x64xbf16, #tpu.memory_space<vmem>> -> memref<128x64xbf16, #tpu.memory_space<vmem>>
      %dma_wait3A_131 = arith.constant 0 : i32
      %dma_wait3A_132 = tpu.memref_slice %arg6[%dma_wait3A_127, %dma_wait3A_131] : memref<5x128xi32, #tpu.memory_space<vmem>> -> memref<1x128xi32, #tpu.memory_space<vmem>>
      %dma_wait3A_133 = tpu.memref_squeeze %dma_wait3A_132 : memref<1x128xi32, #tpu.memory_space<vmem>> -> memref<128xi32, #tpu.memory_space<vmem>>
      %dma_wait3A_134 = arith.constant 0 : i32
      %dma_wait3A_135 = arith.constant 0 : i32
      %dma_wait3A_136 = tpu.memref_slice %arg10[%dma_wait3A_134, %dma_wait3A_135] : memref<50016x64xbf16, #tpu.memory_space<vmem_shared>> -> memref<50016x64xbf16, #tpu.memory_space<vmem_shared>>
      tpu.wait_indirect_dma semaphore(%arg11 : memref<!tpu.dma_semaphore, #tpu.memory_space<semaphore_mem>>) src(%dma_wait3A_136 : memref<50016x64xbf16, #tpu.memory_space<vmem_shared>>) dst(%dma_wait3A_130 : memref<128x64xbf16, #tpu.memory_space<vmem>>)
      %scan3A_137 = arith.constant 0 : i32
      %scan3A_138 = arith.constant 0 : i32
      %scan3A_139 = arith.constant 128 : i32
      %scan3A_140 = arith.addi %scan3A_138, %scan3A_139 : i32
      %scan3A_141 = arith.constant 4 : i32
      scf.for %scan3A_143 = %scan3A_138 to %scan3A_140 step %scan3A_141  : i32 {
        %broadcast_in_dim3A_144 = vector.broadcast %scan3A_143 : i32 to vector<16xi32>
        %gather3A = tpu.vector_load_idx %arg9[%broadcast_in_dim3A_144] : memref<128xf32, #tpu.memory_space<vmem>>[vector<16xi32>], vector<16xf32>,
        %broadcast_in_dim3A_145 = vector.broadcast %scan3A_143 : i32 to vector<16xi32>
        %mul3A_146 = arith.constant 5 : i32
        %mul3A_147 = arith.muli %scan3A_143, %mul3A_146 : i32
        %get3A = arith.index_cast %mul3A_147 : i32 to index
        %get3A_148 = arith.constant 0 : index
        %get3A_149 = tpu.vector_load %arg7[%get3A, %get3A_148] {strides = array<i32>} : memref<640x64xbf16, #tpu.memory_space<vmem>>, vector<32xbf16>,
        %mul3A_150 = arith.constant 5 : i32
        %mul3A_151 = arith.muli %scan3A_143, %mul3A_150 : i32
        %add3A_152 = arith.constant 1 : i32
        %add3A_153 = arith.addi %mul3A_151, %add3A_152 : i32
        %get3A_154 = arith.index_cast %add3A_153 : i32 to index
        %get3A_155 = arith.constant 0 : index
        %get3A_156 = tpu.vector_load %arg7[%get3A_154, %get3A_155] {strides = array<i32>} : memref<640x64xbf16, #tpu.memory_space<vmem>>, vector<32xbf16>,
        %add3A_157 = arith.addf %get3A_149, %get3A_156 : vector<32xbf16>
        %mul3A_158 = arith.constant 5 : i32
        %mul3A_159 = arith.muli %scan3A_143, %mul3A_158 : i32
        %add3A_160 = arith.constant 2 : i32
        %add3A_161 = arith.addi %mul3A_159, %add3A_160 : i32
        %get3A_162 = arith.index_cast %add3A_161 : i32 to index
        %get3A_163 = arith.constant 0 : index
        %get3A_164 = tpu.vector_load %arg7[%get3A_162, %get3A_163] {strides = array<i32>} : memref<640x64xbf16, #tpu.memory_space<vmem>>, vector<32xbf16>,
        %add3A_165 = arith.addf %add3A_157, %get3A_164 : vector<32xbf16>
        %mul3A_166 = arith.constant 5 : i32
        %mul3A_167 = arith.muli %scan3A_143, %mul3A_166 : i32
        %add3A_168 = arith.constant 3 : i32
        %add3A_169 = arith.addi %mul3A_167, %add3A_168 : i32
        %get3A_170 = arith.index_cast %add3A_169 : i32 to index
        %get3A_171 = arith.constant 0 : index
        %get3A_172 = tpu.vector_load %arg7[%get3A_170, %get3A_171] {strides = array<i32>} : memref<640x64xbf16, #tpu.memory_space<vmem>>, vector<32xbf16>,
        %add3A_173 = arith.addf %add3A_165, %get3A_172 : vector<32xbf16>
        %mul3A_174 = arith.constant 5 : i32
        %mul3A_175 = arith.muli %scan3A_143, %mul3A_174 : i32
        %add3A_176 = arith.constant 4 : i32
        %add3A_177 = arith.addi %mul3A_175, %add3A_176 : i32
        %get3A_178 = arith.index_cast %add3A_177 : i32 to index
        %get3A_179 = arith.constant 0 : index
        %get3A_180 = tpu.vector_load %arg7[%get3A_178, %get3A_179] {strides = array<i32>} : memref<640x64xbf16, #tpu.memory_space<vmem>>, vector<32xbf16>,
        %add3A_181 = arith.addf %add3A_173, %get3A_180 : vector<32xbf16>
        %bitcast3A = vector.bitcast %add3A_181 : vector<32xbf16> to vector<16xi32>
        %shift_left3A = arith.shli %bitcast3A, %broadcast_in_dim3A_7 : vector<16xi32>
        %bitcast3A_182 = vector.bitcast %shift_left3A : vector<16xi32> to vector<16xf32>
        %mul3A_183 = arith.mulf %bitcast3A_182, %gather3A : vector<16xf32>
        %and3A_184 = arith.andi %bitcast3A, %broadcast_in_dim3A_9 : vector<16xi32>
        %bitcast3A_185 = vector.bitcast %and3A_184 : vector<16xi32> to vector<16xf32>
        %mul3A_186 = arith.mulf %bitcast3A_185, %gather3A : vector<16xf32>
        %broadcast_in_dim3A_187 = arith.constant 0 : i32
        %broadcast_in_dim3A_188 = vector.broadcast %broadcast_in_dim3A_187 : i32 to vector<16xi32>
        %add3A_189 = arith.addi %broadcast_in_dim3A_188, %mul3A_12 : vector<16xi32>
        tpu.vector_store_idx %arg8[%broadcast_in_dim3A_145, %add3A_189], %mul3A_183 : memref<128x64xf32, #tpu.memory_space<vmem>>[vector<16xi32>, vector<16xi32>], vector<16xf32>,
        %add3A_190 = arith.addi %broadcast_in_dim3A_188, %mul3A_12 : vector<16xi32>
        %add3A_191 = arith.addi %add3A_190, %broadcast_in_dim3A_5 : vector<16xi32>
        tpu.vector_store_idx %arg8[%broadcast_in_dim3A_145, %add3A_191], %mul3A_186 : memref<128x64xf32, #tpu.memory_space<vmem>>[vector<16xi32>, vector<16xi32>], vector<16xf32>,
        %mul3A_192 = arith.constant 5 : i32
        %mul3A_193 = arith.muli %scan3A_143, %mul3A_192 : i32
        %get3A_194 = arith.index_cast %mul3A_193 : i32 to index
        %get3A_195 = arith.constant 32 : index
        %get3A_196 = tpu.vector_load %arg7[%get3A_194, %get3A_195] {strides = array<i32>} : memref<640x64xbf16, #tpu.memory_space<vmem>>, vector<32xbf16>,
        %mul3A_197 = arith.constant 5 : i32
        %mul3A_198 = arith.muli %scan3A_143, %mul3A_197 : i32
        %add3A_199 = arith.constant 1 : i32
        %add3A_200 = arith.addi %mul3A_198, %add3A_199 : i32
        %get3A_201 = arith.index_cast %add3A_200 : i32 to index
        %get3A_202 = arith.constant 32 : index
        %get3A_203 = tpu.vector_load %arg7[%get3A_201, %get3A_202] {strides = array<i32>} : memref<640x64xbf16, #tpu.memory_space<vmem>>, vector<32xbf16>,
        %add3A_204 = arith.addf %get3A_196, %get3A_203 : vector<32xbf16>
        %mul3A_205 = arith.constant 5 : i32
        %mul3A_206 = arith.muli %scan3A_143, %mul3A_205 : i32
        %add3A_207 = arith.constant 2 : i32
        %add3A_208 = arith.addi %mul3A_206, %add3A_207 : i32
        %get3A_209 = arith.index_cast %add3A_208 : i32 to index
        %get3A_210 = arith.constant 32 : index
        %get3A_211 = tpu.vector_load %arg7[%get3A_209, %get3A_210] {strides = array<i32>} : memref<640x64xbf16, #tpu.memory_space<vmem>>, vector<32xbf16>,
        %add3A_212 = arith.addf %add3A_204, %get3A_211 : vector<32xbf16>
        %mul3A_213 = arith.constant 5 : i32
        %mul3A_214 = arith.muli %scan3A_143, %mul3A_213 : i32
        %add3A_215 = arith.constant 3 : i32
        %add3A_216 = arith.addi %mul3A_214, %add3A_215 : i32
        %get3A_217 = arith.index_cast %add3A_216 : i32 to index
        %get3A_218 = arith.constant 32 : index
        %get3A_219 = tpu.vector_load %arg7[%get3A_217, %get3A_218] {strides = array<i32>} : memref<640x64xbf16, #tpu.memory_space<vmem>>, vector<32xbf16>,
        %add3A_220 = arith.addf %add3A_212, %get3A_219 : vector<32xbf16>
        %mul3A_221 = arith.constant 5 : i32
        %mul3A_222 = arith.muli %scan3A_143, %mul3A_221 : i32
        %add3A_223 = arith.constant 4 : i32
        %add3A_224 = arith.addi %mul3A_222, %add3A_223 : i32
        %get3A_225 = arith.index_cast %add3A_224 : i32 to index
        %get3A_226 = arith.constant 32 : index
        %get3A_227 = tpu.vector_load %arg7[%get3A_225, %get3A_226] {strides = array<i32>} : memref<640x64xbf16, #tpu.memory_space<vmem>>, vector<32xbf16>,
        %add3A_228 = arith.addf %add3A_220, %get3A_227 : vector<32xbf16>
        %bitcast3A_229 = vector.bitcast %add3A_228 : vector<32xbf16> to vector<16xi32>
        %shift_left3A_230 = arith.shli %bitcast3A_229, %broadcast_in_dim3A_7 : vector<16xi32>
        %bitcast3A_231 = vector.bitcast %shift_left3A_230 : vector<16xi32> to vector<16xf32>
        %mul3A_232 = arith.mulf %bitcast3A_231, %gather3A : vector<16xf32>
        %and3A_233 = arith.andi %bitcast3A_229, %broadcast_in_dim3A_9 : vector<16xi32>
        %bitcast3A_234 = vector.bitcast %and3A_233 : vector<16xi32> to vector<16xf32>
        %mul3A_235 = arith.mulf %bitcast3A_234, %gather3A : vector<16xf32>
        %broadcast_in_dim3A_236 = arith.constant 32 : i32
        %broadcast_in_dim3A_237 = vector.broadcast %broadcast_in_dim3A_236 : i32 to vector<16xi32>
        %add3A_238 = arith.addi %broadcast_in_dim3A_237, %mul3A_12 : vector<16xi32>
        tpu.vector_store_idx %arg8[%broadcast_in_dim3A_145, %add3A_238], %mul3A_232 : memref<128x64xf32, #tpu.memory_space<vmem>>[vector<16xi32>, vector<16xi32>], vector<16xf32>,
        %add3A_239 = arith.addi %broadcast_in_dim3A_237, %mul3A_12 : vector<16xi32>
        %add3A_240 = arith.addi %add3A_239, %broadcast_in_dim3A_5 : vector<16xi32>
        tpu.vector_store_idx %arg8[%broadcast_in_dim3A_145, %add3A_240], %mul3A_235 : memref<128x64xf32, #tpu.memory_space<vmem>>[vector<16xi32>, vector<16xi32>], vector<16xf32>,
        %scan3A_241 = arith.constant 1 : i32
        %scan3A_242 = arith.addi %scan3A_143, %scan3A_241 : i32
        %broadcast_in_dim3A_243 = vector.broadcast %scan3A_242 : i32 to vector<16xi32>
        %gather3A_244 = tpu.vector_load_idx %arg9[%broadcast_in_dim3A_243] : memref<128xf32, #tpu.memory_space<vmem>>[vector<16xi32>], vector<16xf32>,
        %broadcast_in_dim3A_245 = vector.broadcast %scan3A_242 : i32 to vector<16xi32>
        %mul3A_246 = arith.constant 5 : i32
        %mul3A_247 = arith.muli %scan3A_242, %mul3A_246 : i32
        %get3A_248 = arith.index_cast %mul3A_247 : i32 to index
        %get3A_249 = arith.constant 0 : index
        %get3A_250 = tpu.vector_load %arg7[%get3A_248, %get3A_249] {strides = array<i32>} : memref<640x64xbf16, #tpu.memory_space<vmem>>, vector<32xbf16>,
        %mul3A_251 = arith.constant 5 : i32
        %mul3A_252 = arith.muli %scan3A_242, %mul3A_251 : i32
        %add3A_253 = arith.constant 1 : i32
        %add3A_254 = arith.addi %mul3A_252, %add3A_253 : i32
        %get3A_255 = arith.index_cast %add3A_254 : i32 to index
        %get3A_256 = arith.constant 0 : index
        %get3A_257 = tpu.vector_load %arg7[%get3A_255, %get3A_256] {strides = array<i32>} : memref<640x64xbf16, #tpu.memory_space<vmem>>, vector<32xbf16>,
        %add3A_258 = arith.addf %get3A_250, %get3A_257 : vector<32xbf16>
        %mul3A_259 = arith.constant 5 : i32
        %mul3A_260 = arith.muli %scan3A_242, %mul3A_259 : i32
        %add3A_261 = arith.constant 2 : i32
        %add3A_262 = arith.addi %mul3A_260, %add3A_261 : i32
        %get3A_263 = arith.index_cast %add3A_262 : i32 to index
        %get3A_264 = arith.constant 0 : index
        %get3A_265 = tpu.vector_load %arg7[%get3A_263, %get3A_264] {strides = array<i32>} : memref<640x64xbf16, #tpu.memory_space<vmem>>, vector<32xbf16>,
        %add3A_266 = arith.addf %add3A_258, %get3A_265 : vector<32xbf16>
        %mul3A_267 = arith.constant 5 : i32
        %mul3A_268 = arith.muli %scan3A_242, %mul3A_267 : i32
        %add3A_269 = arith.constant 3 : i32
        %add3A_270 = arith.addi %mul3A_268, %add3A_269 : i32
        %get3A_271 = arith.index_cast %add3A_270 : i32 to index
        %get3A_272 = arith.constant 0 : index
        %get3A_273 = tpu.vector_load %arg7[%get3A_271, %get3A_272] {strides = array<i32>} : memref<640x64xbf16, #tpu.memory_space<vmem>>, vector<32xbf16>,
        %add3A_274 = arith.addf %add3A_266, %get3A_273 : vector<32xbf16>
        %mul3A_275 = arith.constant 5 : i32
        %mul3A_276 = arith.muli %scan3A_242, %mul3A_275 : i32
        %add3A_277 = arith.constant 4 : i32
        %add3A_278 = arith.addi %mul3A_276, %add3A_277 : i32
        %get3A_279 = arith.index_cast %add3A_278 : i32 to index
        %get3A_280 = arith.constant 0 : index
        %get3A_281 = tpu.vector_load %arg7[%get3A_279, %get3A_280] {strides = array<i32>} : memref<640x64xbf16, #tpu.memory_space<vmem>>, vector<32xbf16>,
        %add3A_282 = arith.addf %add3A_274, %get3A_281 : vector<32xbf16>
        %bitcast3A_283 = vector.bitcast %add3A_282 : vector<32xbf16> to vector<16xi32>
        %shift_left3A_284 = arith.shli %bitcast3A_283, %broadcast_in_dim3A_7 : vector<16xi32>
        %bitcast3A_285 = vector.bitcast %shift_left3A_284 : vector<16xi32> to vector<16xf32>
        %mul3A_286 = arith.mulf %bitcast3A_285, %gather3A_244 : vector<16xf32>
        %and3A_287 = arith.andi %bitcast3A_283, %broadcast_in_dim3A_9 : vector<16xi32>
        %bitcast3A_288 = vector.bitcast %and3A_287 : vector<16xi32> to vector<16xf32>
        %mul3A_289 = arith.mulf %bitcast3A_288, %gather3A_244 : vector<16xf32>
        %broadcast_in_dim3A_290 = arith.constant 0 : i32
        %broadcast_in_dim3A_291 = vector.broadcast %broadcast_in_dim3A_290 : i32 to vector<16xi32>
        %add3A_292 = arith.addi %broadcast_in_dim3A_291, %mul3A_12 : vector<16xi32>
        tpu.vector_store_idx %arg8[%broadcast_in_dim3A_245, %add3A_292], %mul3A_286 : memref<128x64xf32, #tpu.memory_space<vmem>>[vector<16xi32>, vector<16xi32>], vector<16xf32>,
        %add3A_293 = arith.addi %broadcast_in_dim3A_291, %mul3A_12 : vector<16xi32>
        %add3A_294 = arith.addi %add3A_293, %broadcast_in_dim3A_5 : vector<16xi32>
        tpu.vector_store_idx %arg8[%broadcast_in_dim3A_245, %add3A_294], %mul3A_289 : memref<128x64xf32, #tpu.memory_space<vmem>>[vector<16xi32>, vector<16xi32>], vector<16xf32>,
        %mul3A_295 = arith.constant 5 : i32
        %mul3A_296 = arith.muli %scan3A_242, %mul3A_295 : i32
        %get3A_297 = arith.index_cast %mul3A_296 : i32 to index
        %get3A_298 = arith.constant 32 : index
        %get3A_299 = tpu.vector_load %arg7[%get3A_297, %get3A_298] {strides = array<i32>} : memref<640x64xbf16, #tpu.memory_space<vmem>>, vector<32xbf16>,
        %mul3A_300 = arith.constant 5 : i32
        %mul3A_301 = arith.muli %scan3A_242, %mul3A_300 : i32
        %add3A_302 = arith.constant 1 : i32
        %add3A_303 = arith.addi %mul3A_301, %add3A_302 : i32
        %get3A_304 = arith.index_cast %add3A_303 : i32 to index
        %get3A_305 = arith.constant 32 : index
        %get3A_306 = tpu.vector_load %arg7[%get3A_304, %get3A_305] {strides = array<i32>} : memref<640x64xbf16, #tpu.memory_space<vmem>>, vector<32xbf16>,
        %add3A_307 = arith.addf %get3A_299, %get3A_306 : vector<32xbf16>
        %mul3A_308 = arith.constant 5 : i32
        %mul3A_309 = arith.muli %scan3A_242, %mul3A_308 : i32
        %add3A_310 = arith.constant 2 : i32
        %add3A_311 = arith.addi %mul3A_309, %add3A_310 : i32
        %get3A_312 = arith.index_cast %add3A_311 : i32 to index
        %get3A_313 = arith.constant 32 : index
        %get3A_314 = tpu.vector_load %arg7[%get3A_312, %get3A_313] {strides = array<i32>} : memref<640x64xbf16, #tpu.memory_space<vmem>>, vector<32xbf16>,
        %add3A_315 = arith.addf %add3A_307, %get3A_314 : vector<32xbf16>
        %mul3A_316 = arith.constant 5 : i32
        %mul3A_317 = arith.muli %scan3A_242, %mul3A_316 : i32
        %add3A_318 = arith.constant 3 : i32
        %add3A_319 = arith.addi %mul3A_317, %add3A_318 : i32
        %get3A_320 = arith.index_cast %add3A_319 : i32 to index
        %get3A_321 = arith.constant 32 : index
        %get3A_322 = tpu.vector_load %arg7[%get3A_320, %get3A_321] {strides = array<i32>} : memref<640x64xbf16, #tpu.memory_space<vmem>>, vector<32xbf16>,
        %add3A_323 = arith.addf %add3A_315, %get3A_322 : vector<32xbf16>
        %mul3A_324 = arith.constant 5 : i32
        %mul3A_325 = arith.muli %scan3A_242, %mul3A_324 : i32
        %add3A_326 = arith.constant 4 : i32
        %add3A_327 = arith.addi %mul3A_325, %add3A_326 : i32
        %get3A_328 = arith.index_cast %add3A_327 : i32 to index
        %get3A_329 = arith.constant 32 : index
        %get3A_330 = tpu.vector_load %arg7[%get3A_328, %get3A_329] {strides = array<i32>} : memref<640x64xbf16, #tpu.memory_space<vmem>>, vector<32xbf16>,
        %add3A_331 = arith.addf %add3A_323, %get3A_330 : vector<32xbf16>
        %bitcast3A_332 = vector.bitcast %add3A_331 : vector<32xbf16> to vector<16xi32>
        %shift_left3A_333 = arith.shli %bitcast3A_332, %broadcast_in_dim3A_7 : vector<16xi32>
        %bitcast3A_334 = vector.bitcast %shift_left3A_333 : vector<16xi32> to vector<16xf32>
        %mul3A_335 = arith.mulf %bitcast3A_334, %gather3A_244 : vector<16xf32>
        %and3A_336 = arith.andi %bitcast3A_332, %broadcast_in_dim3A_9 : vector<16xi32>
        %bitcast3A_337 = vector.bitcast %and3A_336 : vector<16xi32> to vector<16xf32>
        %mul3A_338 = arith.mulf %bitcast3A_337, %gather3A_244 : vector<16xf32>
        %broadcast_in_dim3A_339 = arith.constant 32 : i32
        %broadcast_in_dim3A_340 = vector.broadcast %broadcast_in_dim3A_339 : i32 to vector<16xi32>
        %add3A_341 = arith.addi %broadcast_in_dim3A_340, %mul3A_12 : vector<16xi32>
        tpu.vector_store_idx %arg8[%broadcast_in_dim3A_245, %add3A_341], %mul3A_335 : memref<128x64xf32, #tpu.memory_space<vmem>>[vector<16xi32>, vector<16xi32>], vector<16xf32>,
        %add3A_342 = arith.addi %broadcast_in_dim3A_340, %mul3A_12 : vector<16xi32>
        %add3A_343 = arith.addi %add3A_342, %broadcast_in_dim3A_5 : vector<16xi32>
        tpu.vector_store_idx %arg8[%broadcast_in_dim3A_245, %add3A_343], %mul3A_338 : memref<128x64xf32, #tpu.memory_space<vmem>>[vector<16xi32>, vector<16xi32>], vector<16xf32>,
        %scan3A_344 = arith.constant 2 : i32
        %scan3A_345 = arith.addi %scan3A_143, %scan3A_344 : i32
        %broadcast_in_dim3A_346 = vector.broadcast %scan3A_345 : i32 to vector<16xi32>
        %gather3A_347 = tpu.vector_load_idx %arg9[%broadcast_in_dim3A_346] : memref<128xf32, #tpu.memory_space<vmem>>[vector<16xi32>], vector<16xf32>,
        %broadcast_in_dim3A_348 = vector.broadcast %scan3A_345 : i32 to vector<16xi32>
        %mul3A_349 = arith.constant 5 : i32
        %mul3A_350 = arith.muli %scan3A_345, %mul3A_349 : i32
        %get3A_351 = arith.index_cast %mul3A_350 : i32 to index
        %get3A_352 = arith.constant 0 : index
        %get3A_353 = tpu.vector_load %arg7[%get3A_351, %get3A_352] {strides = array<i32>} : memref<640x64xbf16, #tpu.memory_space<vmem>>, vector<32xbf16>,
        %mul3A_354 = arith.constant 5 : i32
        %mul3A_355 = arith.muli %scan3A_345, %mul3A_354 : i32
        %add3A_356 = arith.constant 1 : i32
        %add3A_357 = arith.addi %mul3A_355, %add3A_356 : i32
        %get3A_358 = arith.index_cast %add3A_357 : i32 to index
        %get3A_359 = arith.constant 0 : index
        %get3A_360 = tpu.vector_load %arg7[%get3A_358, %get3A_359] {strides = array<i32>} : memref<640x64xbf16, #tpu.memory_space<vmem>>, vector<32xbf16>,
        %add3A_361 = arith.addf %get3A_353, %get3A_360 : vector<32xbf16>
        %mul3A_362 = arith.constant 5 : i32
        %mul3A_363 = arith.muli %scan3A_345, %mul3A_362 : i32
        %add3A_364 = arith.constant 2 : i32
        %add3A_365 = arith.addi %mul3A_363, %add3A_364 : i32
        %get3A_366 = arith.index_cast %add3A_365 : i32 to index
        %get3A_367 = arith.constant 0 : index
        %get3A_368 = tpu.vector_load %arg7[%get3A_366, %get3A_367] {strides = array<i32>} : memref<640x64xbf16, #tpu.memory_space<vmem>>, vector<32xbf16>,
        %add3A_369 = arith.addf %add3A_361, %get3A_368 : vector<32xbf16>
        %mul3A_370 = arith.constant 5 : i32
        %mul3A_371 = arith.muli %scan3A_345, %mul3A_370 : i32
        %add3A_372 = arith.constant 3 : i32
        %add3A_373 = arith.addi %mul3A_371, %add3A_372 : i32
        %get3A_374 = arith.index_cast %add3A_373 : i32 to index
        %get3A_375 = arith.constant 0 : index
        %get3A_376 = tpu.vector_load %arg7[%get3A_374, %get3A_375] {strides = array<i32>} : memref<640x64xbf16, #tpu.memory_space<vmem>>, vector<32xbf16>,
        %add3A_377 = arith.addf %add3A_369, %get3A_376 : vector<32xbf16>
        %mul3A_378 = arith.constant 5 : i32
        %mul3A_379 = arith.muli %scan3A_345, %mul3A_378 : i32
        %add3A_380 = arith.constant 4 : i32
        %add3A_381 = arith.addi %mul3A_379, %add3A_380 : i32
        %get3A_382 = arith.index_cast %add3A_381 : i32 to index
        %get3A_383 = arith.constant 0 : index
        %get3A_384 = tpu.vector_load %arg7[%get3A_382, %get3A_383] {strides = array<i32>} : memref<640x64xbf16, #tpu.memory_space<vmem>>, vector<32xbf16>,
        %add3A_385 = arith.addf %add3A_377, %get3A_384 : vector<32xbf16>
        %bitcast3A_386 = vector.bitcast %add3A_385 : vector<32xbf16> to vector<16xi32>
        %shift_left3A_387 = arith.shli %bitcast3A_386, %broadcast_in_dim3A_7 : vector<16xi32>
        %bitcast3A_388 = vector.bitcast %shift_left3A_387 : vector<16xi32> to vector<16xf32>
        %mul3A_389 = arith.mulf %bitcast3A_388, %gather3A_347 : vector<16xf32>
        %and3A_390 = arith.andi %bitcast3A_386, %broadcast_in_dim3A_9 : vector<16xi32>
        %bitcast3A_391 = vector.bitcast %and3A_390 : vector<16xi32> to vector<16xf32>
        %mul3A_392 = arith.mulf %bitcast3A_391, %gather3A_347 : vector<16xf32>
        %broadcast_in_dim3A_393 = arith.constant 0 : i32
        %broadcast_in_dim3A_394 = vector.broadcast %broadcast_in_dim3A_393 : i32 to vector<16xi32>
        %add3A_395 = arith.addi %broadcast_in_dim3A_394, %mul3A_12 : vector<16xi32>
        tpu.vector_store_idx %arg8[%broadcast_in_dim3A_348, %add3A_395], %mul3A_389 : memref<128x64xf32, #tpu.memory_space<vmem>>[vector<16xi32>, vector<16xi32>], vector<16xf32>,
        %add3A_396 = arith.addi %broadcast_in_dim3A_394, %mul3A_12 : vector<16xi32>
        %add3A_397 = arith.addi %add3A_396, %broadcast_in_dim3A_5 : vector<16xi32>
        tpu.vector_store_idx %arg8[%broadcast_in_dim3A_348, %add3A_397], %mul3A_392 : memref<128x64xf32, #tpu.memory_space<vmem>>[vector<16xi32>, vector<16xi32>], vector<16xf32>,
        %mul3A_398 = arith.constant 5 : i32
        %mul3A_399 = arith.muli %scan3A_345, %mul3A_398 : i32
        %get3A_400 = arith.index_cast %mul3A_399 : i32 to index
        %get3A_401 = arith.constant 32 : index
        %get3A_402 = tpu.vector_load %arg7[%get3A_400, %get3A_401] {strides = array<i32>} : memref<640x64xbf16, #tpu.memory_space<vmem>>, vector<32xbf16>,
        %mul3A_403 = arith.constant 5 : i32
        %mul3A_404 = arith.muli %scan3A_345, %mul3A_403 : i32
        %add3A_405 = arith.constant 1 : i32
        %add3A_406 = arith.addi %mul3A_404, %add3A_405 : i32
        %get3A_407 = arith.index_cast %add3A_406 : i32 to index
        %get3A_408 = arith.constant 32 : index
        %get3A_409 = tpu.vector_load %arg7[%get3A_407, %get3A_408] {strides = array<i32>} : memref<640x64xbf16, #tpu.memory_space<vmem>>, vector<32xbf16>,
        %add3A_410 = arith.addf %get3A_402, %get3A_409 : vector<32xbf16>
        %mul3A_411 = arith.constant 5 : i32
        %mul3A_412 = arith.muli %scan3A_345, %mul3A_411 : i32
        %add3A_413 = arith.constant 2 : i32
        %add3A_414 = arith.addi %mul3A_412, %add3A_413 : i32
        %get3A_415 = arith.index_cast %add3A_414 : i32 to index
        %get3A_416 = arith.constant 32 : index
        %get3A_417 = tpu.vector_load %arg7[%get3A_415, %get3A_416] {strides = array<i32>} : memref<640x64xbf16, #tpu.memory_space<vmem>>, vector<32xbf16>,
        %add3A_418 = arith.addf %add3A_410, %get3A_417 : vector<32xbf16>
        %mul3A_419 = arith.constant 5 : i32
        %mul3A_420 = arith.muli %scan3A_345, %mul3A_419 : i32
        %add3A_421 = arith.constant 3 : i32
        %add3A_422 = arith.addi %mul3A_420, %add3A_421 : i32
        %get3A_423 = arith.index_cast %add3A_422 : i32 to index
        %get3A_424 = arith.constant 32 : index
        %get3A_425 = tpu.vector_load %arg7[%get3A_423, %get3A_424] {strides = array<i32>} : memref<640x64xbf16, #tpu.memory_space<vmem>>, vector<32xbf16>,
        %add3A_426 = arith.addf %add3A_418, %get3A_425 : vector<32xbf16>
        %mul3A_427 = arith.constant 5 : i32
        %mul3A_428 = arith.muli %scan3A_345, %mul3A_427 : i32
        %add3A_429 = arith.constant 4 : i32
        %add3A_430 = arith.addi %mul3A_428, %add3A_429 : i32
        %get3A_431 = arith.index_cast %add3A_430 : i32 to index
        %get3A_432 = arith.constant 32 : index
        %get3A_433 = tpu.vector_load %arg7[%get3A_431, %get3A_432] {strides = array<i32>} : memref<640x64xbf16, #tpu.memory_space<vmem>>, vector<32xbf16>,
        %add3A_434 = arith.addf %add3A_426, %get3A_433 : vector<32xbf16>
        %bitcast3A_435 = vector.bitcast %add3A_434 : vector<32xbf16> to vector<16xi32>
        %shift_left3A_436 = arith.shli %bitcast3A_435, %broadcast_in_dim3A_7 : vector<16xi32>
        %bitcast3A_437 = vector.bitcast %shift_left3A_436 : vector<16xi32> to vector<16xf32>
        %mul3A_438 = arith.mulf %bitcast3A_437, %gather3A_347 : vector<16xf32>
        %and3A_439 = arith.andi %bitcast3A_435, %broadcast_in_dim3A_9 : vector<16xi32>
        %bitcast3A_440 = vector.bitcast %and3A_439 : vector<16xi32> to vector<16xf32>
        %mul3A_441 = arith.mulf %bitcast3A_440, %gather3A_347 : vector<16xf32>
        %broadcast_in_dim3A_442 = arith.constant 32 : i32
        %broadcast_in_dim3A_443 = vector.broadcast %broadcast_in_dim3A_442 : i32 to vector<16xi32>
        %add3A_444 = arith.addi %broadcast_in_dim3A_443, %mul3A_12 : vector<16xi32>
        tpu.vector_store_idx %arg8[%broadcast_in_dim3A_348, %add3A_444], %mul3A_438 : memref<128x64xf32, #tpu.memory_space<vmem>>[vector<16xi32>, vector<16xi32>], vector<16xf32>,
        %add3A_445 = arith.addi %broadcast_in_dim3A_443, %mul3A_12 : vector<16xi32>
        %add3A_446 = arith.addi %add3A_445, %broadcast_in_dim3A_5 : vector<16xi32>
        tpu.vector_store_idx %arg8[%broadcast_in_dim3A_348, %add3A_446], %mul3A_441 : memref<128x64xf32, #tpu.memory_space<vmem>>[vector<16xi32>, vector<16xi32>], vector<16xf32>,
        %scan3A_447 = arith.constant 3 : i32
        %scan3A_448 = arith.addi %scan3A_143, %scan3A_447 : i32
        %broadcast_in_dim3A_449 = vector.broadcast %scan3A_448 : i32 to vector<16xi32>
        %gather3A_450 = tpu.vector_load_idx %arg9[%broadcast_in_dim3A_449] : memref<128xf32, #tpu.memory_space<vmem>>[vector<16xi32>], vector<16xf32>,
        %broadcast_in_dim3A_451 = vector.broadcast %scan3A_448 : i32 to vector<16xi32>
        %mul3A_452 = arith.constant 5 : i32
        %mul3A_453 = arith.muli %scan3A_448, %mul3A_452 : i32
        %get3A_454 = arith.index_cast %mul3A_453 : i32 to index
        %get3A_455 = arith.constant 0 : index
        %get3A_456 = tpu.vector_load %arg7[%get3A_454, %get3A_455] {strides = array<i32>} : memref<640x64xbf16, #tpu.memory_space<vmem>>, vector<32xbf16>,
        %mul3A_457 = arith.constant 5 : i32
        %mul3A_458 = arith.muli %scan3A_448, %mul3A_457 : i32
        %add3A_459 = arith.constant 1 : i32
        %add3A_460 = arith.addi %mul3A_458, %add3A_459 : i32
        %get3A_461 = arith.index_cast %add3A_460 : i32 to index
        %get3A_462 = arith.constant 0 : index
        %get3A_463 = tpu.vector_load %arg7[%get3A_461, %get3A_462] {strides = array<i32>} : memref<640x64xbf16, #tpu.memory_space<vmem>>, vector<32xbf16>,
        %add3A_464 = arith.addf %get3A_456, %get3A_463 : vector<32xbf16>
        %mul3A_465 = arith.constant 5 : i32
        %mul3A_466 = arith.muli %scan3A_448, %mul3A_465 : i32
        %add3A_467 = arith.constant 2 : i32
        %add3A_468 = arith.addi %mul3A_466, %add3A_467 : i32
        %get3A_469 = arith.index_cast %add3A_468 : i32 to index
        %get3A_470 = arith.constant 0 : index
        %get3A_471 = tpu.vector_load %arg7[%get3A_469, %get3A_470] {strides = array<i32>} : memref<640x64xbf16, #tpu.memory_space<vmem>>, vector<32xbf16>,
        %add3A_472 = arith.addf %add3A_464, %get3A_471 : vector<32xbf16>
        %mul3A_473 = arith.constant 5 : i32
        %mul3A_474 = arith.muli %scan3A_448, %mul3A_473 : i32
        %add3A_475 = arith.constant 3 : i32
        %add3A_476 = arith.addi %mul3A_474, %add3A_475 : i32
        %get3A_477 = arith.index_cast %add3A_476 : i32 to index
        %get3A_478 = arith.constant 0 : index
        %get3A_479 = tpu.vector_load %arg7[%get3A_477, %get3A_478] {strides = array<i32>} : memref<640x64xbf16, #tpu.memory_space<vmem>>, vector<32xbf16>,
        %add3A_480 = arith.addf %add3A_472, %get3A_479 : vector<32xbf16>
        %mul3A_481 = arith.constant 5 : i32
        %mul3A_482 = arith.muli %scan3A_448, %mul3A_481 : i32
        %add3A_483 = arith.constant 4 : i32
        %add3A_484 = arith.addi %mul3A_482, %add3A_483 : i32
        %get3A_485 = arith.index_cast %add3A_484 : i32 to index
        %get3A_486 = arith.constant 0 : index
        %get3A_487 = tpu.vector_load %arg7[%get3A_485, %get3A_486] {strides = array<i32>} : memref<640x64xbf16, #tpu.memory_space<vmem>>, vector<32xbf16>,
        %add3A_488 = arith.addf %add3A_480, %get3A_487 : vector<32xbf16>
        %bitcast3A_489 = vector.bitcast %add3A_488 : vector<32xbf16> to vector<16xi32>
        %shift_left3A_490 = arith.shli %bitcast3A_489, %broadcast_in_dim3A_7 : vector<16xi32>
        %bitcast3A_491 = vector.bitcast %shift_left3A_490 : vector<16xi32> to vector<16xf32>
        %mul3A_492 = arith.mulf %bitcast3A_491, %gather3A_450 : vector<16xf32>
        %and3A_493 = arith.andi %bitcast3A_489, %broadcast_in_dim3A_9 : vector<16xi32>
        %bitcast3A_494 = vector.bitcast %and3A_493 : vector<16xi32> to vector<16xf32>
        %mul3A_495 = arith.mulf %bitcast3A_494, %gather3A_450 : vector<16xf32>
        %broadcast_in_dim3A_496 = arith.constant 0 : i32
        %broadcast_in_dim3A_497 = vector.broadcast %broadcast_in_dim3A_496 : i32 to vector<16xi32>
        %add3A_498 = arith.addi %broadcast_in_dim3A_497, %mul3A_12 : vector<16xi32>
        tpu.vector_store_idx %arg8[%broadcast_in_dim3A_451, %add3A_498], %mul3A_492 : memref<128x64xf32, #tpu.memory_space<vmem>>[vector<16xi32>, vector<16xi32>], vector<16xf32>,
        %add3A_499 = arith.addi %broadcast_in_dim3A_497, %mul3A_12 : vector<16xi32>
        %add3A_500 = arith.addi %add3A_499, %broadcast_in_dim3A_5 : vector<16xi32>
        tpu.vector_store_idx %arg8[%broadcast_in_dim3A_451, %add3A_500], %mul3A_495 : memref<128x64xf32, #tpu.memory_space<vmem>>[vector<16xi32>, vector<16xi32>], vector<16xf32>,
        %mul3A_501 = arith.constant 5 : i32
        %mul3A_502 = arith.muli %scan3A_448, %mul3A_501 : i32
        %get3A_503 = arith.index_cast %mul3A_502 : i32 to index
        %get3A_504 = arith.constant 32 : index
        %get3A_505 = tpu.vector_load %arg7[%get3A_503, %get3A_504] {strides = array<i32>} : memref<640x64xbf16, #tpu.memory_space<vmem>>, vector<32xbf16>,
        %mul3A_506 = arith.constant 5 : i32
        %mul3A_507 = arith.muli %scan3A_448, %mul3A_506 : i32
        %add3A_508 = arith.constant 1 : i32
        %add3A_509 = arith.addi %mul3A_507, %add3A_508 : i32
        %get3A_510 = arith.index_cast %add3A_509 : i32 to index
        %get3A_511 = arith.constant 32 : index
        %get3A_512 = tpu.vector_load %arg7[%get3A_510, %get3A_511] {strides = array<i32>} : memref<640x64xbf16, #tpu.memory_space<vmem>>, vector<32xbf16>,
        %add3A_513 = arith.addf %get3A_505, %get3A_512 : vector<32xbf16>
        %mul3A_514 = arith.constant 5 : i32
        %mul3A_515 = arith.muli %scan3A_448, %mul3A_514 : i32
        %add3A_516 = arith.constant 2 : i32
        %add3A_517 = arith.addi %mul3A_515, %add3A_516 : i32
        %get3A_518 = arith.index_cast %add3A_517 : i32 to index
        %get3A_519 = arith.constant 32 : index
        %get3A_520 = tpu.vector_load %arg7[%get3A_518, %get3A_519] {strides = array<i32>} : memref<640x64xbf16, #tpu.memory_space<vmem>>, vector<32xbf16>,
        %add3A_521 = arith.addf %add3A_513, %get3A_520 : vector<32xbf16>
        %mul3A_522 = arith.constant 5 : i32
        %mul3A_523 = arith.muli %scan3A_448, %mul3A_522 : i32
        %add3A_524 = arith.constant 3 : i32
        %add3A_525 = arith.addi %mul3A_523, %add3A_524 : i32
        %get3A_526 = arith.index_cast %add3A_525 : i32 to index
        %get3A_527 = arith.constant 32 : index
        %get3A_528 = tpu.vector_load %arg7[%get3A_526, %get3A_527] {strides = array<i32>} : memref<640x64xbf16, #tpu.memory_space<vmem>>, vector<32xbf16>,
        %add3A_529 = arith.addf %add3A_521, %get3A_528 : vector<32xbf16>
        %mul3A_530 = arith.constant 5 : i32
        %mul3A_531 = arith.muli %scan3A_448, %mul3A_530 : i32
        %add3A_532 = arith.constant 4 : i32
        %add3A_533 = arith.addi %mul3A_531, %add3A_532 : i32
        %get3A_534 = arith.index_cast %add3A_533 : i32 to index
        %get3A_535 = arith.constant 32 : index
        %get3A_536 = tpu.vector_load %arg7[%get3A_534, %get3A_535] {strides = array<i32>} : memref<640x64xbf16, #tpu.memory_space<vmem>>, vector<32xbf16>,
        %add3A_537 = arith.addf %add3A_529, %get3A_536 : vector<32xbf16>
        %bitcast3A_538 = vector.bitcast %add3A_537 : vector<32xbf16> to vector<16xi32>
        %shift_left3A_539 = arith.shli %bitcast3A_538, %broadcast_in_dim3A_7 : vector<16xi32>
        %bitcast3A_540 = vector.bitcast %shift_left3A_539 : vector<16xi32> to vector<16xf32>
        %mul3A_541 = arith.mulf %bitcast3A_540, %gather3A_450 : vector<16xf32>
        %and3A_542 = arith.andi %bitcast3A_538, %broadcast_in_dim3A_9 : vector<16xi32>
        %bitcast3A_543 = vector.bitcast %and3A_542 : vector<16xi32> to vector<16xf32>
        %mul3A_544 = arith.mulf %bitcast3A_543, %gather3A_450 : vector<16xf32>
        %broadcast_in_dim3A_545 = arith.constant 32 : i32
        %broadcast_in_dim3A_546 = vector.broadcast %broadcast_in_dim3A_545 : i32 to vector<16xi32>
        %add3A_547 = arith.addi %broadcast_in_dim3A_546, %mul3A_12 : vector<16xi32>
        tpu.vector_store_idx %arg8[%broadcast_in_dim3A_451, %add3A_547], %mul3A_541 : memref<128x64xf32, #tpu.memory_space<vmem>>[vector<16xi32>, vector<16xi32>], vector<16xf32>,
        %add3A_548 = arith.addi %broadcast_in_dim3A_546, %mul3A_12 : vector<16xi32>
        %add3A_549 = arith.addi %add3A_548, %broadcast_in_dim3A_5 : vector<16xi32>
        tpu.vector_store_idx %arg8[%broadcast_in_dim3A_451, %add3A_549], %mul3A_544 : memref<128x64xf32, #tpu.memory_space<vmem>>[vector<16xi32>, vector<16xi32>], vector<16xf32>,
      }
      %scan3A_142 = arith.constant 128 : i32
      "tpu.region"() ({
        %run_scoped3A = tpu.sem_alloc : memref<!tpu.dma_semaphore, #tpu.memory_space<semaphore_mem>>
        %dma_start3A_143 = arith.constant 0 : i32
        %dma_start3A_144 = tpu.memref_slice %arg5[%arg0, %add3A, %dma_start3A_143] : memref<2x204800x64xf32, #tpu.memory_space<hbm>> -> memref<1x128x64xf32, #tpu.memory_space<hbm>>
        %dma_start3A_145 = tpu.memref_squeeze %dma_start3A_144 : memref<1x128x64xf32, #tpu.memory_space<hbm>> -> memref<128x64xf32, #tpu.memory_space<hbm>>
        %dma_start3A_146 = arith.constant 0 : i32
        %dma_start3A_147 = tpu.memref_slice %arg5[%arg0, %add3A, %dma_start3A_146] : memref<2x204800x64xf32, #tpu.memory_space<hbm>> -> memref<1x128x64xf32, #tpu.memory_space<hbm>>
        %dma_start3A_148 = tpu.memref_squeeze %dma_start3A_147 : memref<1x128x64xf32, #tpu.memory_space<hbm>> -> memref<128x64xf32, #tpu.memory_space<hbm>>
        tpu.enqueue_dma source(%arg8 : memref<128x64xf32, #tpu.memory_space<vmem>>) target(%dma_start3A_148 : memref<128x64xf32, #tpu.memory_space<hbm>>) target_semaphore(%run_scoped3A : memref<!tpu.dma_semaphore, #tpu.memory_space<semaphore_mem>>)
        %dma_wait3A_149 = arith.constant 0 : i32
        %dma_wait3A_150 = tpu.memref_slice %arg5[%arg0, %add3A, %dma_wait3A_149] : memref<2x204800x64xf32, #tpu.memory_space<hbm>> -> memref<1x128x64xf32, #tpu.memory_space<hbm>>
        %dma_wait3A_151 = tpu.memref_squeeze %dma_wait3A_150 : memref<1x128x64xf32, #tpu.memory_space<hbm>> -> memref<128x64xf32, #tpu.memory_space<hbm>>
        %dma_wait3A_152 = arith.constant 0 : i32
        %dma_wait3A_153 = tpu.memref_slice %arg5[%arg0, %add3A, %dma_wait3A_152] : memref<2x204800x64xf32, #tpu.memory_space<hbm>> -> memref<1x128x64xf32, #tpu.memory_space<hbm>>
        %dma_wait3A_154 = tpu.memref_squeeze %dma_wait3A_153 : memref<1x128x64xf32, #tpu.memory_space<hbm>> -> memref<128x64xf32, #tpu.memory_space<hbm>>
        tpu.wait_dma2 semaphore(%run_scoped3A : memref<!tpu.dma_semaphore, #tpu.memory_space<semaphore_mem>>) src(%arg8 : memref<128x64xf32, #tpu.memory_space<vmem>>) dst(%dma_wait3A_154 : memref<128x64xf32, #tpu.memory_space<hbm>>)
        tpu.yield
      }) : () -> ()
    }
    %scan3A_17 = arith.constant 100 : i32
    return
  }
}

#map = affine_map<(d0, d1) -> (0)>
#map1 = affine_map<(d0, d1) -> (0, 0)>
#map2 = affine_map<(d0, d1) -> (0, 0, 0)>
module attributes {stable_mosaic.version = 14 : i64} {
  func.func @_phase_a(%arg0: i32, %arg1: i32, %arg2: memref<204800xi32, #tpu.memory_space<hbm>>, %arg3: memref<100000x8xi32, #tpu.memory_space<hbm>>, %arg4: memref<2x8000x128xi32, #tpu.memory_space<hbm>>, %arg5: memref<204800xf32, #tpu.memory_space<hbm>>, %arg6: memref<1x128xi32, #tpu.memory_space<vmem>>, %arg7: memref<128x8xi32, #tpu.memory_space<vmem>>, %arg8: memref<2x5x128xi32, #tpu.memory_space<vmem>>, %arg9: memref<128xf32, #tpu.memory_space<vmem>>, %arg10: memref<100000x8xi32, #tpu.memory_space<vmem_shared>>) attributes {dimension_semantics = [#tpu.dimension_semantics<core_parallel>, #tpu.dimension_semantics<subcore_parallel>], iteration_bounds = array<i64: 2, 16>, scalar_prefetch = 0 : i64, scratch_operands = 5 : i64, tpu.core_type = #tpu.core_type<sc_vector_subcore>, window_params = [{transform_indices = #map}, {transform_indices = #map1}, {transform_indices = #map2}, {transform_indices = #map}]} {
    %mul3A = arith.constant 2 : i32
    %mul3A_0 = arith.muli %arg1, %mul3A : i32
    %add3A = arith.addi %mul3A_0, %arg0 : i32
    %mul3A_1 = arith.constant 6400 : i32
    %mul3A_2 = arith.muli %add3A, %mul3A_1 : i32
    %mul3A_3 = arith.constant 6250 : i32
    %mul3A_4 = arith.muli %arg1, %mul3A_3 : i32
    %mul3A_5 = arith.constant 6250 : i32
    %mul3A_6 = arith.muli %arg1, %mul3A_5 : i32
    "tpu.region"() ({
      %run_scoped3A = tpu.sem_alloc : memref<!tpu.dma_semaphore, #tpu.memory_space<semaphore_mem>>
      %dma_start3A = arith.constant 0 : i32
      %dma_start3A_21 = tpu.memref_slice %arg10[%mul3A_6, %dma_start3A] : memref<100000x8xi32, #tpu.memory_space<vmem_shared>> -> memref<6250x8xi32, #tpu.memory_space<vmem_shared>>
      %dma_start3A_22 = arith.constant 0 : i32
      %dma_start3A_23 = tpu.memref_slice %arg3[%mul3A_4, %dma_start3A_22] : memref<100000x8xi32, #tpu.memory_space<hbm>> -> memref<6250x8xi32, #tpu.memory_space<hbm>>
      tpu.enqueue_dma source(%dma_start3A_23 : memref<6250x8xi32, #tpu.memory_space<hbm>>) target(%dma_start3A_21 : memref<6250x8xi32, #tpu.memory_space<vmem_shared>>) target_semaphore(%run_scoped3A : memref<!tpu.dma_semaphore, #tpu.memory_space<semaphore_mem>>)
      %dma_wait3A = arith.constant 0 : i32
      %dma_wait3A_24 = tpu.memref_slice %arg10[%mul3A_6, %dma_wait3A] : memref<100000x8xi32, #tpu.memory_space<vmem_shared>> -> memref<6250x8xi32, #tpu.memory_space<vmem_shared>>
      %dma_wait3A_25 = arith.constant 0 : i32
      %dma_wait3A_26 = tpu.memref_slice %arg3[%mul3A_4, %dma_wait3A_25] : memref<100000x8xi32, #tpu.memory_space<hbm>> -> memref<6250x8xi32, #tpu.memory_space<hbm>>
      tpu.wait_dma2 semaphore(%run_scoped3A : memref<!tpu.dma_semaphore, #tpu.memory_space<semaphore_mem>>) src(%dma_wait3A_26 : memref<6250x8xi32, #tpu.memory_space<hbm>>) dst(%dma_wait3A_24 : memref<6250x8xi32, #tpu.memory_space<vmem_shared>>)
      tpu.yield
    }) : () -> ()
    %barrier3A = arith.constant 0 : index
    tpu.barrier barrier_id(%barrier3A)
    %broadcast_in_dim3A = arith.constant 0 : i32
    %broadcast_in_dim3A_7 = vector.broadcast %broadcast_in_dim3A : i32 to vector<16xi32>
    %broadcast_in_dim3A_8 = arith.constant 50000 : i32
    %broadcast_in_dim3A_9 = vector.broadcast %broadcast_in_dim3A_8 : i32 to vector<16xi32>
    %broadcast_in_dim3A_10 = arith.constant 50000 : i32
    %broadcast_in_dim3A_11 = vector.broadcast %broadcast_in_dim3A_10 : i32 to vector<16xi32>
    %broadcast_in_dim3A_12 = arith.constant 49999 : i32
    %broadcast_in_dim3A_13 = vector.broadcast %broadcast_in_dim3A_12 : i32 to vector<16xi32>
    %broadcast_in_dim3A_14 = arith.constant 5 : i32
    %broadcast_in_dim3A_15 = vector.broadcast %broadcast_in_dim3A_14 : i32 to vector<16xi32>
    %scan3A = arith.constant 0 : i32
    %scan3A_16 = arith.constant 0 : i32
    %scan3A_17 = arith.constant 50 : i32
    %scan3A_18 = arith.addi %scan3A_16, %scan3A_17 : i32
    %scan3A_19 = arith.constant 1 : i32
    scf.for %scan3A_21 = %scan3A_16 to %scan3A_18 step %scan3A_19  : i32 {
      %mul3A_22 = arith.constant 128 : i32
      %mul3A_23 = arith.muli %scan3A_21, %mul3A_22 : i32
      %add3A_24 = arith.addi %mul3A_2, %mul3A_23 : i32
      %run_scoped3A = arith.constant 0 : i32
      "tpu.region"() ({
        %run_scoped3A_84 = tpu.sem_alloc : memref<!tpu.dma_semaphore, #tpu.memory_space<semaphore_mem>>
        %dma_start3A = arith.constant 0 : i32
        %dma_start3A_85 = tpu.memref_slice %arg6[%run_scoped3A, %dma_start3A] : memref<1x128xi32, #tpu.memory_space<vmem>> -> memref<1x128xi32, #tpu.memory_space<vmem>>
        %dma_start3A_86 = tpu.memref_squeeze %dma_start3A_85 : memref<1x128xi32, #tpu.memory_space<vmem>> -> memref<128xi32, #tpu.memory_space<vmem>>
        %dma_start3A_87 = tpu.memref_slice %arg2[%add3A_24] : memref<204800xi32, #tpu.memory_space<hbm>> -> memref<128xi32, #tpu.memory_space<hbm>>
        %dma_start3A_88 = arith.constant 0 : i32
        %dma_start3A_89 = tpu.memref_slice %arg6[%run_scoped3A, %dma_start3A_88] : memref<1x128xi32, #tpu.memory_space<vmem>> -> memref<1x128xi32, #tpu.memory_space<vmem>>
        %dma_start3A_90 = tpu.memref_squeeze %dma_start3A_89 : memref<1x128xi32, #tpu.memory_space<vmem>> -> memref<128xi32, #tpu.memory_space<vmem>>
        %dma_start3A_91 = tpu.memref_slice %arg2[%add3A_24] : memref<204800xi32, #tpu.memory_space<hbm>> -> memref<128xi32, #tpu.memory_space<hbm>>
        tpu.enqueue_dma source(%dma_start3A_91 : memref<128xi32, #tpu.memory_space<hbm>>) target(%dma_start3A_90 : memref<128xi32, #tpu.memory_space<vmem>>) target_semaphore(%run_scoped3A_84 : memref<!tpu.dma_semaphore, #tpu.memory_space<semaphore_mem>>)
        %dma_wait3A = arith.constant 0 : i32
        %dma_wait3A_92 = tpu.memref_slice %arg6[%run_scoped3A, %dma_wait3A] : memref<1x128xi32, #tpu.memory_space<vmem>> -> memref<1x128xi32, #tpu.memory_space<vmem>>
        %dma_wait3A_93 = tpu.memref_squeeze %dma_wait3A_92 : memref<1x128xi32, #tpu.memory_space<vmem>> -> memref<128xi32, #tpu.memory_space<vmem>>
        %dma_wait3A_94 = tpu.memref_slice %arg2[%add3A_24] : memref<204800xi32, #tpu.memory_space<hbm>> -> memref<128xi32, #tpu.memory_space<hbm>>
        %dma_wait3A_95 = arith.constant 0 : i32
        %dma_wait3A_96 = tpu.memref_slice %arg6[%run_scoped3A, %dma_wait3A_95] : memref<1x128xi32, #tpu.memory_space<vmem>> -> memref<1x128xi32, #tpu.memory_space<vmem>>
        %dma_wait3A_97 = tpu.memref_squeeze %dma_wait3A_96 : memref<1x128xi32, #tpu.memory_space<vmem>> -> memref<128xi32, #tpu.memory_space<vmem>>
        %dma_wait3A_98 = tpu.memref_slice %arg2[%add3A_24] : memref<204800xi32, #tpu.memory_space<hbm>> -> memref<128xi32, #tpu.memory_space<hbm>>
        tpu.wait_dma2 semaphore(%run_scoped3A_84 : memref<!tpu.dma_semaphore, #tpu.memory_space<semaphore_mem>>) src(%dma_wait3A_98 : memref<128xi32, #tpu.memory_space<hbm>>) dst(%dma_wait3A_97 : memref<128xi32, #tpu.memory_space<vmem>>)
        tpu.yield
      }) : () -> ()
      %run_scoped3A_25 = arith.constant 0 : i32
      "tpu.region"() ({
        %run_scoped3A_84 = tpu.sem_alloc : memref<!tpu.dma_semaphore, #tpu.memory_space<semaphore_mem>>
        %dma_start3A = arith.constant 0 : i32
        %dma_start3A_85 = tpu.memref_slice %arg6[%run_scoped3A_25, %dma_start3A] : memref<1x128xi32, #tpu.memory_space<vmem>> -> memref<1x128xi32, #tpu.memory_space<vmem>>
        %dma_start3A_86 = tpu.memref_squeeze %dma_start3A_85 : memref<1x128xi32, #tpu.memory_space<vmem>> -> memref<128xi32, #tpu.memory_space<vmem>>
        %dma_start3A_87 = arith.constant 0 : i32
        %dma_start3A_88 = arith.constant 0 : i32
        %dma_start3A_89 = tpu.memref_slice %arg10[%dma_start3A_87, %dma_start3A_88] : memref<100000x8xi32, #tpu.memory_space<vmem_shared>> -> memref<100000x8xi32, #tpu.memory_space<vmem_shared>>
        tpu.enqueue_indirect_dma source(%dma_start3A_89 : memref<100000x8xi32, #tpu.memory_space<vmem_shared>>) target(%arg7 : memref<128x8xi32, #tpu.memory_space<vmem>>) offsets(%dma_start3A_86 : memref<128xi32, #tpu.memory_space<vmem>>) semaphore(%run_scoped3A_84 : memref<!tpu.dma_semaphore, #tpu.memory_space<semaphore_mem>>)
        %dma_wait3A = arith.constant 0 : i32
        %dma_wait3A_90 = tpu.memref_slice %arg6[%run_scoped3A_25, %dma_wait3A] : memref<1x128xi32, #tpu.memory_space<vmem>> -> memref<1x128xi32, #tpu.memory_space<vmem>>
        %dma_wait3A_91 = tpu.memref_squeeze %dma_wait3A_90 : memref<1x128xi32, #tpu.memory_space<vmem>> -> memref<128xi32, #tpu.memory_space<vmem>>
        %dma_wait3A_92 = arith.constant 0 : i32
        %dma_wait3A_93 = arith.constant 0 : i32
        %dma_wait3A_94 = tpu.memref_slice %arg10[%dma_wait3A_92, %dma_wait3A_93] : memref<100000x8xi32, #tpu.memory_space<vmem_shared>> -> memref<100000x8xi32, #tpu.memory_space<vmem_shared>>
        tpu.wait_indirect_dma semaphore(%run_scoped3A_84 : memref<!tpu.dma_semaphore, #tpu.memory_space<semaphore_mem>>) src(%dma_wait3A_94 : memref<100000x8xi32, #tpu.memory_space<vmem_shared>>) dst(%arg7 : memref<128x8xi32, #tpu.memory_space<vmem>>)
        tpu.yield
      }) : () -> ()
      %scan3A_26 = arith.constant 0 : i32
      %scan3A_27 = arith.constant 0 : i32
      %scan3A_28 = arith.constant 8 : i32
      %scan3A_29 = arith.addi %scan3A_27, %scan3A_28 : i32
      %scan3A_30 = arith.constant 1 : i32
      scf.for %scan3A_84 = %scan3A_27 to %scan3A_29 step %scan3A_30  : i32 {
        %iota3A = tpu.iota {dimensions = array<i32: 0>} : vector<16xi32>
        %mul3A_85 = arith.constant 16 : i32
        %mul3A_86 = arith.muli %scan3A_84, %mul3A_85 : i32
        %add3A_87 = arith.constant 0 : i32
        %add3A_88 = arith.addi %add3A_87, %mul3A_86 : i32
        %broadcast_in_dim3A_89 = vector.broadcast %add3A_88 : i32 to vector<16xi32>
        %add3A_90 = arith.addi %iota3A, %broadcast_in_dim3A_89 : vector<16xi32>
        %div3A_91 = arith.divsi %add3A_90, %broadcast_in_dim3A_15 : vector<16xi32>
        %mul3A_92 = arith.muli %div3A_91, %broadcast_in_dim3A_15 : vector<16xi32>
        %sub3A_93 = arith.subi %add3A_90, %mul3A_92 : vector<16xi32>
        %gather3A = tpu.vector_load_idx %arg7[%div3A_91, %sub3A_93] : memref<128x8xi32, #tpu.memory_space<vmem>>[vector<16xi32>, vector<16xi32>], vector<16xi32>,
        %lt3A = arith.cmpi slt, %gather3A, %broadcast_in_dim3A_9 : vector<16xi32>
        %select_n3A_94 = arith.select %lt3A, %gather3A, %broadcast_in_dim3A_11 : vector<16xi1>, vector<16xi32>
        %ge3A = arith.cmpi sge, %gather3A, %broadcast_in_dim3A_9 : vector<16xi32>
        %sub3A_95 = arith.subi %gather3A, %broadcast_in_dim3A_13 : vector<16xi32>
        %select_n3A_96 = arith.select %ge3A, %sub3A_95, %broadcast_in_dim3A_7 : vector<16xi1>, vector<16xi32>
        %mul3A_97 = arith.constant 16 : i32
        %mul3A_98 = arith.muli %scan3A_84, %mul3A_97 : i32
        %swap3A = arith.constant 0 : i32
        %swap3A_99 = arith.constant 0 : i32
        %swap3A_100 = arith.index_cast %swap3A : i32 to index
        %swap3A_101 = arith.index_cast %swap3A_99 : i32 to index
        %swap3A_102 = arith.index_cast %mul3A_98 : i32 to index
        %swap3A_103 = tpu.vector_load %arg8[%swap3A_100, %swap3A_101, %swap3A_102] {strides = array<i32>} : memref<2x5x128xi32, #tpu.memory_space<vmem>>, vector<16xi32>,
        tpu.vector_store %arg8[%swap3A_100, %swap3A_101, %swap3A_102], %select_n3A_94 {strides = array<i32>} : memref<2x5x128xi32, #tpu.memory_space<vmem>>, vector<16xi32>,
        %mul3A_104 = arith.constant 16 : i32
        %mul3A_105 = arith.muli %scan3A_84, %mul3A_104 : i32
        %swap3A_106 = arith.constant 1 : i32
        %swap3A_107 = arith.constant 0 : i32
        %swap3A_108 = arith.index_cast %swap3A_106 : i32 to index
        %swap3A_109 = arith.index_cast %swap3A_107 : i32 to index
        %swap3A_110 = arith.index_cast %mul3A_105 : i32 to index
        %swap3A_111 = tpu.vector_load %arg8[%swap3A_108, %swap3A_109, %swap3A_110] {strides = array<i32>} : memref<2x5x128xi32, #tpu.memory_space<vmem>>, vector<16xi32>,
        tpu.vector_store %arg8[%swap3A_108, %swap3A_109, %swap3A_110], %select_n3A_96 {strides = array<i32>} : memref<2x5x128xi32, #tpu.memory_space<vmem>>, vector<16xi32>,
      }
      %scan3A_31 = arith.constant 8 : i32
      %scan3A_32 = arith.constant 0 : i32
      %scan3A_33 = arith.constant 0 : i32
      %scan3A_34 = arith.constant 8 : i32
      %scan3A_35 = arith.addi %scan3A_33, %scan3A_34 : i32
      %scan3A_36 = arith.constant 1 : i32
      scf.for %scan3A_84 = %scan3A_33 to %scan3A_35 step %scan3A_36  : i32 {
        %iota3A = tpu.iota {dimensions = array<i32: 0>} : vector<16xi32>
        %mul3A_85 = arith.constant 16 : i32
        %mul3A_86 = arith.muli %scan3A_84, %mul3A_85 : i32
        %add3A_87 = arith.constant 128 : i32
        %add3A_88 = arith.addi %add3A_87, %mul3A_86 : i32
        %broadcast_in_dim3A_89 = vector.broadcast %add3A_88 : i32 to vector<16xi32>
        %add3A_90 = arith.addi %iota3A, %broadcast_in_dim3A_89 : vector<16xi32>
        %div3A_91 = arith.divsi %add3A_90, %broadcast_in_dim3A_15 : vector<16xi32>
        %mul3A_92 = arith.muli %div3A_91, %broadcast_in_dim3A_15 : vector<16xi32>
        %sub3A_93 = arith.subi %add3A_90, %mul3A_92 : vector<16xi32>
        %gather3A = tpu.vector_load_idx %arg7[%div3A_91, %sub3A_93] : memref<128x8xi32, #tpu.memory_space<vmem>>[vector<16xi32>, vector<16xi32>], vector<16xi32>,
        %lt3A = arith.cmpi slt, %gather3A, %broadcast_in_dim3A_9 : vector<16xi32>
        %select_n3A_94 = arith.select %lt3A, %gather3A, %broadcast_in_dim3A_11 : vector<16xi1>, vector<16xi32>
        %ge3A = arith.cmpi sge, %gather3A, %broadcast_in_dim3A_9 : vector<16xi32>
        %sub3A_95 = arith.subi %gather3A, %broadcast_in_dim3A_13 : vector<16xi32>
        %select_n3A_96 = arith.select %ge3A, %sub3A_95, %broadcast_in_dim3A_7 : vector<16xi1>, vector<16xi32>
        %mul3A_97 = arith.constant 16 : i32
        %mul3A_98 = arith.muli %scan3A_84, %mul3A_97 : i32
        %swap3A = arith.constant 0 : i32
        %swap3A_99 = arith.constant 1 : i32
        %swap3A_100 = arith.index_cast %swap3A : i32 to index
        %swap3A_101 = arith.index_cast %swap3A_99 : i32 to index
        %swap3A_102 = arith.index_cast %mul3A_98 : i32 to index
        %swap3A_103 = tpu.vector_load %arg8[%swap3A_100, %swap3A_101, %swap3A_102] {strides = array<i32>} : memref<2x5x128xi32, #tpu.memory_space<vmem>>, vector<16xi32>,
        tpu.vector_store %arg8[%swap3A_100, %swap3A_101, %swap3A_102], %select_n3A_94 {strides = array<i32>} : memref<2x5x128xi32, #tpu.memory_space<vmem>>, vector<16xi32>,
        %mul3A_104 = arith.constant 16 : i32
        %mul3A_105 = arith.muli %scan3A_84, %mul3A_104 : i32
        %swap3A_106 = arith.constant 1 : i32
        %swap3A_107 = arith.constant 1 : i32
        %swap3A_108 = arith.index_cast %swap3A_106 : i32 to index
        %swap3A_109 = arith.index_cast %swap3A_107 : i32 to index
        %swap3A_110 = arith.index_cast %mul3A_105 : i32 to index
        %swap3A_111 = tpu.vector_load %arg8[%swap3A_108, %swap3A_109, %swap3A_110] {strides = array<i32>} : memref<2x5x128xi32, #tpu.memory_space<vmem>>, vector<16xi32>,
        tpu.vector_store %arg8[%swap3A_108, %swap3A_109, %swap3A_110], %select_n3A_96 {strides = array<i32>} : memref<2x5x128xi32, #tpu.memory_space<vmem>>, vector<16xi32>,
      }
      %scan3A_37 = arith.constant 8 : i32
      %scan3A_38 = arith.constant 0 : i32
      %scan3A_39 = arith.constant 0 : i32
      %scan3A_40 = arith.constant 8 : i32
      %scan3A_41 = arith.addi %scan3A_39, %scan3A_40 : i32
      %scan3A_42 = arith.constant 1 : i32
      scf.for %scan3A_84 = %scan3A_39 to %scan3A_41 step %scan3A_42  : i32 {
        %iota3A = tpu.iota {dimensions = array<i32: 0>} : vector<16xi32>
        %mul3A_85 = arith.constant 16 : i32
        %mul3A_86 = arith.muli %scan3A_84, %mul3A_85 : i32
        %add3A_87 = arith.constant 256 : i32
        %add3A_88 = arith.addi %add3A_87, %mul3A_86 : i32
        %broadcast_in_dim3A_89 = vector.broadcast %add3A_88 : i32 to vector<16xi32>
        %add3A_90 = arith.addi %iota3A, %broadcast_in_dim3A_89 : vector<16xi32>
        %div3A_91 = arith.divsi %add3A_90, %broadcast_in_dim3A_15 : vector<16xi32>
        %mul3A_92 = arith.muli %div3A_91, %broadcast_in_dim3A_15 : vector<16xi32>
        %sub3A_93 = arith.subi %add3A_90, %mul3A_92 : vector<16xi32>
        %gather3A = tpu.vector_load_idx %arg7[%div3A_91, %sub3A_93] : memref<128x8xi32, #tpu.memory_space<vmem>>[vector<16xi32>, vector<16xi32>], vector<16xi32>,
        %lt3A = arith.cmpi slt, %gather3A, %broadcast_in_dim3A_9 : vector<16xi32>
        %select_n3A_94 = arith.select %lt3A, %gather3A, %broadcast_in_dim3A_11 : vector<16xi1>, vector<16xi32>
        %ge3A = arith.cmpi sge, %gather3A, %broadcast_in_dim3A_9 : vector<16xi32>
        %sub3A_95 = arith.subi %gather3A, %broadcast_in_dim3A_13 : vector<16xi32>
        %select_n3A_96 = arith.select %ge3A, %sub3A_95, %broadcast_in_dim3A_7 : vector<16xi1>, vector<16xi32>
        %mul3A_97 = arith.constant 16 : i32
        %mul3A_98 = arith.muli %scan3A_84, %mul3A_97 : i32
        %swap3A = arith.constant 0 : i32
        %swap3A_99 = arith.constant 2 : i32
        %swap3A_100 = arith.index_cast %swap3A : i32 to index
        %swap3A_101 = arith.index_cast %swap3A_99 : i32 to index
        %swap3A_102 = arith.index_cast %mul3A_98 : i32 to index
        %swap3A_103 = tpu.vector_load %arg8[%swap3A_100, %swap3A_101, %swap3A_102] {strides = array<i32>} : memref<2x5x128xi32, #tpu.memory_space<vmem>>, vector<16xi32>,
        tpu.vector_store %arg8[%swap3A_100, %swap3A_101, %swap3A_102], %select_n3A_94 {strides = array<i32>} : memref<2x5x128xi32, #tpu.memory_space<vmem>>, vector<16xi32>,
        %mul3A_104 = arith.constant 16 : i32
        %mul3A_105 = arith.muli %scan3A_84, %mul3A_104 : i32
        %swap3A_106 = arith.constant 1 : i32
        %swap3A_107 = arith.constant 2 : i32
        %swap3A_108 = arith.index_cast %swap3A_106 : i32 to index
        %swap3A_109 = arith.index_cast %swap3A_107 : i32 to index
        %swap3A_110 = arith.index_cast %mul3A_105 : i32 to index
        %swap3A_111 = tpu.vector_load %arg8[%swap3A_108, %swap3A_109, %swap3A_110] {strides = array<i32>} : memref<2x5x128xi32, #tpu.memory_space<vmem>>, vector<16xi32>,
        tpu.vector_store %arg8[%swap3A_108, %swap3A_109, %swap3A_110], %select_n3A_96 {strides = array<i32>} : memref<2x5x128xi32, #tpu.memory_space<vmem>>, vector<16xi32>,
      }
      %scan3A_43 = arith.constant 8 : i32
      %scan3A_44 = arith.constant 0 : i32
      %scan3A_45 = arith.constant 0 : i32
      %scan3A_46 = arith.constant 8 : i32
      %scan3A_47 = arith.addi %scan3A_45, %scan3A_46 : i32
      %scan3A_48 = arith.constant 1 : i32
      scf.for %scan3A_84 = %scan3A_45 to %scan3A_47 step %scan3A_48  : i32 {
        %iota3A = tpu.iota {dimensions = array<i32: 0>} : vector<16xi32>
        %mul3A_85 = arith.constant 16 : i32
        %mul3A_86 = arith.muli %scan3A_84, %mul3A_85 : i32
        %add3A_87 = arith.constant 384 : i32
        %add3A_88 = arith.addi %add3A_87, %mul3A_86 : i32
        %broadcast_in_dim3A_89 = vector.broadcast %add3A_88 : i32 to vector<16xi32>
        %add3A_90 = arith.addi %iota3A, %broadcast_in_dim3A_89 : vector<16xi32>
        %div3A_91 = arith.divsi %add3A_90, %broadcast_in_dim3A_15 : vector<16xi32>
        %mul3A_92 = arith.muli %div3A_91, %broadcast_in_dim3A_15 : vector<16xi32>
        %sub3A_93 = arith.subi %add3A_90, %mul3A_92 : vector<16xi32>
        %gather3A = tpu.vector_load_idx %arg7[%div3A_91, %sub3A_93] : memref<128x8xi32, #tpu.memory_space<vmem>>[vector<16xi32>, vector<16xi32>], vector<16xi32>,
        %lt3A = arith.cmpi slt, %gather3A, %broadcast_in_dim3A_9 : vector<16xi32>
        %select_n3A_94 = arith.select %lt3A, %gather3A, %broadcast_in_dim3A_11 : vector<16xi1>, vector<16xi32>
        %ge3A = arith.cmpi sge, %gather3A, %broadcast_in_dim3A_9 : vector<16xi32>
        %sub3A_95 = arith.subi %gather3A, %broadcast_in_dim3A_13 : vector<16xi32>
        %select_n3A_96 = arith.select %ge3A, %sub3A_95, %broadcast_in_dim3A_7 : vector<16xi1>, vector<16xi32>
        %mul3A_97 = arith.constant 16 : i32
        %mul3A_98 = arith.muli %scan3A_84, %mul3A_97 : i32
        %swap3A = arith.constant 0 : i32
        %swap3A_99 = arith.constant 3 : i32
        %swap3A_100 = arith.index_cast %swap3A : i32 to index
        %swap3A_101 = arith.index_cast %swap3A_99 : i32 to index
        %swap3A_102 = arith.index_cast %mul3A_98 : i32 to index
        %swap3A_103 = tpu.vector_load %arg8[%swap3A_100, %swap3A_101, %swap3A_102] {strides = array<i32>} : memref<2x5x128xi32, #tpu.memory_space<vmem>>, vector<16xi32>,
        tpu.vector_store %arg8[%swap3A_100, %swap3A_101, %swap3A_102], %select_n3A_94 {strides = array<i32>} : memref<2x5x128xi32, #tpu.memory_space<vmem>>, vector<16xi32>,
        %mul3A_104 = arith.constant 16 : i32
        %mul3A_105 = arith.muli %scan3A_84, %mul3A_104 : i32
        %swap3A_106 = arith.constant 1 : i32
        %swap3A_107 = arith.constant 3 : i32
        %swap3A_108 = arith.index_cast %swap3A_106 : i32 to index
        %swap3A_109 = arith.index_cast %swap3A_107 : i32 to index
        %swap3A_110 = arith.index_cast %mul3A_105 : i32 to index
        %swap3A_111 = tpu.vector_load %arg8[%swap3A_108, %swap3A_109, %swap3A_110] {strides = array<i32>} : memref<2x5x128xi32, #tpu.memory_space<vmem>>, vector<16xi32>,
        tpu.vector_store %arg8[%swap3A_108, %swap3A_109, %swap3A_110], %select_n3A_96 {strides = array<i32>} : memref<2x5x128xi32, #tpu.memory_space<vmem>>, vector<16xi32>,
      }
      %scan3A_49 = arith.constant 8 : i32
      %scan3A_50 = arith.constant 0 : i32
      %scan3A_51 = arith.constant 0 : i32
      %scan3A_52 = arith.constant 8 : i32
      %scan3A_53 = arith.addi %scan3A_51, %scan3A_52 : i32
      %scan3A_54 = arith.constant 1 : i32
      scf.for %scan3A_84 = %scan3A_51 to %scan3A_53 step %scan3A_54  : i32 {
        %iota3A = tpu.iota {dimensions = array<i32: 0>} : vector<16xi32>
        %mul3A_85 = arith.constant 16 : i32
        %mul3A_86 = arith.muli %scan3A_84, %mul3A_85 : i32
        %add3A_87 = arith.constant 512 : i32
        %add3A_88 = arith.addi %add3A_87, %mul3A_86 : i32
        %broadcast_in_dim3A_89 = vector.broadcast %add3A_88 : i32 to vector<16xi32>
        %add3A_90 = arith.addi %iota3A, %broadcast_in_dim3A_89 : vector<16xi32>
        %div3A_91 = arith.divsi %add3A_90, %broadcast_in_dim3A_15 : vector<16xi32>
        %mul3A_92 = arith.muli %div3A_91, %broadcast_in_dim3A_15 : vector<16xi32>
        %sub3A_93 = arith.subi %add3A_90, %mul3A_92 : vector<16xi32>
        %gather3A = tpu.vector_load_idx %arg7[%div3A_91, %sub3A_93] : memref<128x8xi32, #tpu.memory_space<vmem>>[vector<16xi32>, vector<16xi32>], vector<16xi32>,
        %lt3A = arith.cmpi slt, %gather3A, %broadcast_in_dim3A_9 : vector<16xi32>
        %select_n3A_94 = arith.select %lt3A, %gather3A, %broadcast_in_dim3A_11 : vector<16xi1>, vector<16xi32>
        %ge3A = arith.cmpi sge, %gather3A, %broadcast_in_dim3A_9 : vector<16xi32>
        %sub3A_95 = arith.subi %gather3A, %broadcast_in_dim3A_13 : vector<16xi32>
        %select_n3A_96 = arith.select %ge3A, %sub3A_95, %broadcast_in_dim3A_7 : vector<16xi1>, vector<16xi32>
        %mul3A_97 = arith.constant 16 : i32
        %mul3A_98 = arith.muli %scan3A_84, %mul3A_97 : i32
        %swap3A = arith.constant 0 : i32
        %swap3A_99 = arith.constant 4 : i32
        %swap3A_100 = arith.index_cast %swap3A : i32 to index
        %swap3A_101 = arith.index_cast %swap3A_99 : i32 to index
        %swap3A_102 = arith.index_cast %mul3A_98 : i32 to index
        %swap3A_103 = tpu.vector_load %arg8[%swap3A_100, %swap3A_101, %swap3A_102] {strides = array<i32>} : memref<2x5x128xi32, #tpu.memory_space<vmem>>, vector<16xi32>,
        tpu.vector_store %arg8[%swap3A_100, %swap3A_101, %swap3A_102], %select_n3A_94 {strides = array<i32>} : memref<2x5x128xi32, #tpu.memory_space<vmem>>, vector<16xi32>,
        %mul3A_104 = arith.constant 16 : i32
        %mul3A_105 = arith.muli %scan3A_84, %mul3A_104 : i32
        %swap3A_106 = arith.constant 1 : i32
        %swap3A_107 = arith.constant 4 : i32
        %swap3A_108 = arith.index_cast %swap3A_106 : i32 to index
        %swap3A_109 = arith.index_cast %swap3A_107 : i32 to index
        %swap3A_110 = arith.index_cast %mul3A_105 : i32 to index
        %swap3A_111 = tpu.vector_load %arg8[%swap3A_108, %swap3A_109, %swap3A_110] {strides = array<i32>} : memref<2x5x128xi32, #tpu.memory_space<vmem>>, vector<16xi32>,
        tpu.vector_store %arg8[%swap3A_108, %swap3A_109, %swap3A_110], %select_n3A_96 {strides = array<i32>} : memref<2x5x128xi32, #tpu.memory_space<vmem>>, vector<16xi32>,
      }
      %scan3A_55 = arith.constant 8 : i32
      %scan3A_56 = arith.constant 0 : i32
      %scan3A_57 = arith.constant 0 : i32
      %scan3A_58 = arith.constant 8 : i32
      %scan3A_59 = arith.addi %scan3A_57, %scan3A_58 : i32
      %scan3A_60 = arith.constant 1 : i32
      scf.for %scan3A_84 = %scan3A_57 to %scan3A_59 step %scan3A_60  : i32 {
        %iota3A = tpu.iota {dimensions = array<i32: 0>} : vector<16xi32>
        %mul3A_85 = arith.constant 16 : i32
        %mul3A_86 = arith.muli %scan3A_84, %mul3A_85 : i32
        %broadcast_in_dim3A_87 = vector.broadcast %mul3A_86 : i32 to vector<16xi32>
        %add3A_88 = arith.addi %iota3A, %broadcast_in_dim3A_87 : vector<16xi32>
        %broadcast_in_dim3A_89 = arith.constant 1.000000e+00 : f32
        %broadcast_in_dim3A_90 = vector.broadcast %broadcast_in_dim3A_89 : f32 to vector<16xf32>
        %broadcast_in_dim3A_91 = arith.constant 0.000000e+00 : f32
        %broadcast_in_dim3A_92 = vector.broadcast %broadcast_in_dim3A_91 : f32 to vector<16xf32>
        %broadcast_in_dim3A_93 = arith.constant 0 : i32
        %broadcast_in_dim3A_94 = vector.broadcast %broadcast_in_dim3A_93 : i32 to vector<16xi32>
        %gather3A = tpu.vector_load_idx %arg7[%add3A_88, %broadcast_in_dim3A_94] : memref<128x8xi32, #tpu.memory_space<vmem>>[vector<16xi32>, vector<16xi32>], vector<16xi32>,
        %ne3A_95 = arith.cmpi ne, %gather3A, %broadcast_in_dim3A_7 : vector<16xi32>
        %select_n3A_96 = arith.select %ne3A_95, %broadcast_in_dim3A_90, %broadcast_in_dim3A_92 : vector<16xi1>, vector<16xf32>
        %add3A_97 = arith.addf %broadcast_in_dim3A_92, %select_n3A_96 : vector<16xf32>
        %broadcast_in_dim3A_98 = arith.constant 1 : i32
        %broadcast_in_dim3A_99 = vector.broadcast %broadcast_in_dim3A_98 : i32 to vector<16xi32>
        %gather3A_100 = tpu.vector_load_idx %arg7[%add3A_88, %broadcast_in_dim3A_99] : memref<128x8xi32, #tpu.memory_space<vmem>>[vector<16xi32>, vector<16xi32>], vector<16xi32>,
        %ne3A_101 = arith.cmpi ne, %gather3A_100, %broadcast_in_dim3A_7 : vector<16xi32>
        %select_n3A_102 = arith.select %ne3A_101, %broadcast_in_dim3A_90, %broadcast_in_dim3A_92 : vector<16xi1>, vector<16xf32>
        %add3A_103 = arith.addf %add3A_97, %select_n3A_102 : vector<16xf32>
        %broadcast_in_dim3A_104 = arith.constant 2 : i32
        %broadcast_in_dim3A_105 = vector.broadcast %broadcast_in_dim3A_104 : i32 to vector<16xi32>
        %gather3A_106 = tpu.vector_load_idx %arg7[%add3A_88, %broadcast_in_dim3A_105] : memref<128x8xi32, #tpu.memory_space<vmem>>[vector<16xi32>, vector<16xi32>], vector<16xi32>,
        %ne3A_107 = arith.cmpi ne, %gather3A_106, %broadcast_in_dim3A_7 : vector<16xi32>
        %select_n3A_108 = arith.select %ne3A_107, %broadcast_in_dim3A_90, %broadcast_in_dim3A_92 : vector<16xi1>, vector<16xf32>
        %add3A_109 = arith.addf %add3A_103, %select_n3A_108 : vector<16xf32>
        %broadcast_in_dim3A_110 = arith.constant 3 : i32
        %broadcast_in_dim3A_111 = vector.broadcast %broadcast_in_dim3A_110 : i32 to vector<16xi32>
        %gather3A_112 = tpu.vector_load_idx %arg7[%add3A_88, %broadcast_in_dim3A_111] : memref<128x8xi32, #tpu.memory_space<vmem>>[vector<16xi32>, vector<16xi32>], vector<16xi32>,
        %ne3A_113 = arith.cmpi ne, %gather3A_112, %broadcast_in_dim3A_7 : vector<16xi32>
        %select_n3A_114 = arith.select %ne3A_113, %broadcast_in_dim3A_90, %broadcast_in_dim3A_92 : vector<16xi1>, vector<16xf32>
        %add3A_115 = arith.addf %add3A_109, %select_n3A_114 : vector<16xf32>
        %broadcast_in_dim3A_116 = arith.constant 4 : i32
        %broadcast_in_dim3A_117 = vector.broadcast %broadcast_in_dim3A_116 : i32 to vector<16xi32>
        %gather3A_118 = tpu.vector_load_idx %arg7[%add3A_88, %broadcast_in_dim3A_117] : memref<128x8xi32, #tpu.memory_space<vmem>>[vector<16xi32>, vector<16xi32>], vector<16xi32>,
        %ne3A_119 = arith.cmpi ne, %gather3A_118, %broadcast_in_dim3A_7 : vector<16xi32>
        %select_n3A_120 = arith.select %ne3A_119, %broadcast_in_dim3A_90, %broadcast_in_dim3A_92 : vector<16xi1>, vector<16xf32>
        %add3A_121 = arith.addf %add3A_115, %select_n3A_120 : vector<16xf32>
        %broadcast_in_dim3A_122 = arith.constant 9.99999997E-7 : f32
        %broadcast_in_dim3A_123 = vector.broadcast %broadcast_in_dim3A_122 : f32 to vector<16xf32>
        %add3A_124 = arith.addf %add3A_121, %broadcast_in_dim3A_123 : vector<16xf32>
        %div3A_125 = arith.divf %broadcast_in_dim3A_90, %add3A_124 : vector<16xf32>
        %mul3A_126 = arith.constant 16 : i32
        %mul3A_127 = arith.muli %scan3A_84, %mul3A_126 : i32
        %swap3A = arith.index_cast %mul3A_127 : i32 to index
        %swap3A_128 = tpu.vector_load %arg9[%swap3A] {strides = array<i32>} : memref<128xf32, #tpu.memory_space<vmem>>, vector<16xf32>,
        tpu.vector_store %arg9[%swap3A], %div3A_125 {strides = array<i32>} : memref<128xf32, #tpu.memory_space<vmem>>, vector<16xf32>,
      }
      %scan3A_61 = arith.constant 8 : i32
      %jit3A = arith.constant 128 : i32
      %div3A = arith.divsi %add3A_24, %jit3A : i32
      %sign3A = arith.constant 0 : i32
      %sign3A_62 = arith.cmpi sgt, %add3A_24, %sign3A : i32
      %sign3A_63 = arith.extui %sign3A_62 : i1 to i32
      %sign3A_64 = arith.constant 0 : i32
      %sign3A_65 = arith.cmpi slt, %add3A_24, %sign3A_64 : i32
      %sign3A_66 = arith.extui %sign3A_65 : i1 to i32
      %sign3A_67 = arith.subi %sign3A_63, %sign3A_66 : i32
      %sign3A_68 = arith.constant 0 : i32
      %sign3A_69 = arith.cmpi sgt, %jit3A, %sign3A_68 : i32
      %sign3A_70 = arith.extui %sign3A_69 : i1 to i32
      %sign3A_71 = arith.constant 0 : i32
      %sign3A_72 = arith.cmpi slt, %jit3A, %sign3A_71 : i32
      %sign3A_73 = arith.extui %sign3A_72 : i1 to i32
      %sign3A_74 = arith.subi %sign3A_70, %sign3A_73 : i32
      %ne3A = arith.cmpi ne, %sign3A_67, %sign3A_74 : i32
      %rem3A = arith.remsi %add3A_24, %jit3A : i32
      %ne3A_75 = arith.constant 0 : i32
      %ne3A_76 = arith.cmpi ne, %rem3A, %ne3A_75 : i32
      %and3A = arith.andi %ne3A, %ne3A_76 : i1
      %sub3A = arith.constant 1 : i32
      %sub3A_77 = arith.subi %div3A, %sub3A : i32
      %select_n3A = arith.select %and3A, %sub3A_77, %div3A : i32
      %mul3A_78 = arith.constant 5 : i32
      %mul3A_79 = arith.muli %select_n3A, %mul3A_78 : i32
      %run_scoped3A_80 = arith.constant 0 : i32
      %run_scoped3A_81 = arith.constant 0 : i32
      "tpu.region"() ({
        %run_scoped3A_84 = tpu.sem_alloc : memref<!tpu.dma_semaphore, #tpu.memory_space<semaphore_mem>>
        %dma_start3A = arith.constant 0 : i32
        %dma_start3A_85 = arith.constant 0 : i32
        %dma_start3A_86 = tpu.memref_slice %arg8[%run_scoped3A_80, %dma_start3A, %dma_start3A_85] : memref<2x5x128xi32, #tpu.memory_space<vmem>> -> memref<1x5x128xi32, #tpu.memory_space<vmem>>
        %dma_start3A_87 = tpu.memref_squeeze %dma_start3A_86 : memref<1x5x128xi32, #tpu.memory_space<vmem>> -> memref<5x128xi32, #tpu.memory_space<vmem>>
        %dma_start3A_88 = arith.constant 0 : i32
        %dma_start3A_89 = tpu.memref_slice %arg4[%run_scoped3A_81, %mul3A_79, %dma_start3A_88] : memref<2x8000x128xi32, #tpu.memory_space<hbm>> -> memref<1x5x128xi32, #tpu.memory_space<hbm>>
        %dma_start3A_90 = tpu.memref_squeeze %dma_start3A_89 : memref<1x5x128xi32, #tpu.memory_space<hbm>> -> memref<5x128xi32, #tpu.memory_space<hbm>>
        %dma_start3A_91 = arith.constant 0 : i32
        %dma_start3A_92 = tpu.memref_slice %arg4[%run_scoped3A_81, %mul3A_79, %dma_start3A_91] : memref<2x8000x128xi32, #tpu.memory_space<hbm>> -> memref<1x5x128xi32, #tpu.memory_space<hbm>>
        %dma_start3A_93 = tpu.memref_squeeze %dma_start3A_92 : memref<1x5x128xi32, #tpu.memory_space<hbm>> -> memref<5x128xi32, #tpu.memory_space<hbm>>
        %dma_start3A_94 = arith.constant 0 : i32
        %dma_start3A_95 = arith.constant 0 : i32
        %dma_start3A_96 = tpu.memref_slice %arg8[%run_scoped3A_80, %dma_start3A_94, %dma_start3A_95] : memref<2x5x128xi32, #tpu.memory_space<vmem>> -> memref<1x5x128xi32, #tpu.memory_space<vmem>>
        %dma_start3A_97 = tpu.memref_squeeze %dma_start3A_96 : memref<1x5x128xi32, #tpu.memory_space<vmem>> -> memref<5x128xi32, #tpu.memory_space<vmem>>
        tpu.enqueue_dma source(%dma_start3A_97 : memref<5x128xi32, #tpu.memory_space<vmem>>) target(%dma_start3A_93 : memref<5x128xi32, #tpu.memory_space<hbm>>) target_semaphore(%run_scoped3A_84 : memref<!tpu.dma_semaphore, #tpu.memory_space<semaphore_mem>>)
        %dma_wait3A = arith.constant 0 : i32
        %dma_wait3A_98 = arith.constant 0 : i32
        %dma_wait3A_99 = tpu.memref_slice %arg8[%run_scoped3A_80, %dma_wait3A, %dma_wait3A_98] : memref<2x5x128xi32, #tpu.memory_space<vmem>> -> memref<1x5x128xi32, #tpu.memory_space<vmem>>
        %dma_wait3A_100 = tpu.memref_squeeze %dma_wait3A_99 : memref<1x5x128xi32, #tpu.memory_space<vmem>> -> memref<5x128xi32, #tpu.memory_space<vmem>>
        %dma_wait3A_101 = arith.constant 0 : i32
        %dma_wait3A_102 = tpu.memref_slice %arg4[%run_scoped3A_81, %mul3A_79, %dma_wait3A_101] : memref<2x8000x128xi32, #tpu.memory_space<hbm>> -> memref<1x5x128xi32, #tpu.memory_space<hbm>>
        %dma_wait3A_103 = tpu.memref_squeeze %dma_wait3A_102 : memref<1x5x128xi32, #tpu.memory_space<hbm>> -> memref<5x128xi32, #tpu.memory_space<hbm>>
        %dma_wait3A_104 = arith.constant 0 : i32
        %dma_wait3A_105 = tpu.memref_slice %arg4[%run_scoped3A_81, %mul3A_79, %dma_wait3A_104] : memref<2x8000x128xi32, #tpu.memory_space<hbm>> -> memref<1x5x128xi32, #tpu.memory_space<hbm>>
        %dma_wait3A_106 = tpu.memref_squeeze %dma_wait3A_105 : memref<1x5x128xi32, #tpu.memory_space<hbm>> -> memref<5x128xi32, #tpu.memory_space<hbm>>
        %dma_wait3A_107 = arith.constant 0 : i32
        %dma_wait3A_108 = arith.constant 0 : i32
        %dma_wait3A_109 = tpu.memref_slice %arg8[%run_scoped3A_80, %dma_wait3A_107, %dma_wait3A_108] : memref<2x5x128xi32, #tpu.memory_space<vmem>> -> memref<1x5x128xi32, #tpu.memory_space<vmem>>
        %dma_wait3A_110 = tpu.memref_squeeze %dma_wait3A_109 : memref<1x5x128xi32, #tpu.memory_space<vmem>> -> memref<5x128xi32, #tpu.memory_space<vmem>>
        tpu.wait_dma2 semaphore(%run_scoped3A_84 : memref<!tpu.dma_semaphore, #tpu.memory_space<semaphore_mem>>) src(%dma_wait3A_110 : memref<5x128xi32, #tpu.memory_space<vmem>>) dst(%dma_wait3A_106 : memref<5x128xi32, #tpu.memory_space<hbm>>)
        tpu.yield
      }) : () -> ()
      %run_scoped3A_82 = arith.constant 1 : i32
      %run_scoped3A_83 = arith.constant 1 : i32
      "tpu.region"() ({
        %run_scoped3A_84 = tpu.sem_alloc : memref<!tpu.dma_semaphore, #tpu.memory_space<semaphore_mem>>
        %dma_start3A = arith.constant 0 : i32
        %dma_start3A_85 = arith.constant 0 : i32
        %dma_start3A_86 = tpu.memref_slice %arg8[%run_scoped3A_82, %dma_start3A, %dma_start3A_85] : memref<2x5x128xi32, #tpu.memory_space<vmem>> -> memref<1x5x128xi32, #tpu.memory_space<vmem>>
        %dma_start3A_87 = tpu.memref_squeeze %dma_start3A_86 : memref<1x5x128xi32, #tpu.memory_space<vmem>> -> memref<5x128xi32, #tpu.memory_space<vmem>>
        %dma_start3A_88 = arith.constant 0 : i32
        %dma_start3A_89 = tpu.memref_slice %arg4[%run_scoped3A_83, %mul3A_79, %dma_start3A_88] : memref<2x8000x128xi32, #tpu.memory_space<hbm>> -> memref<1x5x128xi32, #tpu.memory_space<hbm>>
        %dma_start3A_90 = tpu.memref_squeeze %dma_start3A_89 : memref<1x5x128xi32, #tpu.memory_space<hbm>> -> memref<5x128xi32, #tpu.memory_space<hbm>>
        %dma_start3A_91 = arith.constant 0 : i32
        %dma_start3A_92 = tpu.memref_slice %arg4[%run_scoped3A_83, %mul3A_79, %dma_start3A_91] : memref<2x8000x128xi32, #tpu.memory_space<hbm>> -> memref<1x5x128xi32, #tpu.memory_space<hbm>>
        %dma_start3A_93 = tpu.memref_squeeze %dma_start3A_92 : memref<1x5x128xi32, #tpu.memory_space<hbm>> -> memref<5x128xi32, #tpu.memory_space<hbm>>
        %dma_start3A_94 = arith.constant 0 : i32
        %dma_start3A_95 = arith.constant 0 : i32
        %dma_start3A_96 = tpu.memref_slice %arg8[%run_scoped3A_82, %dma_start3A_94, %dma_start3A_95] : memref<2x5x128xi32, #tpu.memory_space<vmem>> -> memref<1x5x128xi32, #tpu.memory_space<vmem>>
        %dma_start3A_97 = tpu.memref_squeeze %dma_start3A_96 : memref<1x5x128xi32, #tpu.memory_space<vmem>> -> memref<5x128xi32, #tpu.memory_space<vmem>>
        tpu.enqueue_dma source(%dma_start3A_97 : memref<5x128xi32, #tpu.memory_space<vmem>>) target(%dma_start3A_93 : memref<5x128xi32, #tpu.memory_space<hbm>>) target_semaphore(%run_scoped3A_84 : memref<!tpu.dma_semaphore, #tpu.memory_space<semaphore_mem>>)
        %dma_wait3A = arith.constant 0 : i32
        %dma_wait3A_98 = arith.constant 0 : i32
        %dma_wait3A_99 = tpu.memref_slice %arg8[%run_scoped3A_82, %dma_wait3A, %dma_wait3A_98] : memref<2x5x128xi32, #tpu.memory_space<vmem>> -> memref<1x5x128xi32, #tpu.memory_space<vmem>>
        %dma_wait3A_100 = tpu.memref_squeeze %dma_wait3A_99 : memref<1x5x128xi32, #tpu.memory_space<vmem>> -> memref<5x128xi32, #tpu.memory_space<vmem>>
        %dma_wait3A_101 = arith.constant 0 : i32
        %dma_wait3A_102 = tpu.memref_slice %arg4[%run_scoped3A_83, %mul3A_79, %dma_wait3A_101] : memref<2x8000x128xi32, #tpu.memory_space<hbm>> -> memref<1x5x128xi32, #tpu.memory_space<hbm>>
        %dma_wait3A_103 = tpu.memref_squeeze %dma_wait3A_102 : memref<1x5x128xi32, #tpu.memory_space<hbm>> -> memref<5x128xi32, #tpu.memory_space<hbm>>
        %dma_wait3A_104 = arith.constant 0 : i32
        %dma_wait3A_105 = tpu.memref_slice %arg4[%run_scoped3A_83, %mul3A_79, %dma_wait3A_104] : memref<2x8000x128xi32, #tpu.memory_space<hbm>> -> memref<1x5x128xi32, #tpu.memory_space<hbm>>
        %dma_wait3A_106 = tpu.memref_squeeze %dma_wait3A_105 : memref<1x5x128xi32, #tpu.memory_space<hbm>> -> memref<5x128xi32, #tpu.memory_space<hbm>>
        %dma_wait3A_107 = arith.constant 0 : i32
        %dma_wait3A_108 = arith.constant 0 : i32
        %dma_wait3A_109 = tpu.memref_slice %arg8[%run_scoped3A_82, %dma_wait3A_107, %dma_wait3A_108] : memref<2x5x128xi32, #tpu.memory_space<vmem>> -> memref<1x5x128xi32, #tpu.memory_space<vmem>>
        %dma_wait3A_110 = tpu.memref_squeeze %dma_wait3A_109 : memref<1x5x128xi32, #tpu.memory_space<vmem>> -> memref<5x128xi32, #tpu.memory_space<vmem>>
        tpu.wait_dma2 semaphore(%run_scoped3A_84 : memref<!tpu.dma_semaphore, #tpu.memory_space<semaphore_mem>>) src(%dma_wait3A_110 : memref<5x128xi32, #tpu.memory_space<vmem>>) dst(%dma_wait3A_106 : memref<5x128xi32, #tpu.memory_space<hbm>>)
        tpu.yield
      }) : () -> ()
      "tpu.region"() ({
        %run_scoped3A_84 = tpu.sem_alloc : memref<!tpu.dma_semaphore, #tpu.memory_space<semaphore_mem>>
        %dma_start3A = tpu.memref_slice %arg5[%add3A_24] : memref<204800xf32, #tpu.memory_space<hbm>> -> memref<128xf32, #tpu.memory_space<hbm>>
        %dma_start3A_85 = tpu.memref_slice %arg5[%add3A_24] : memref<204800xf32, #tpu.memory_space<hbm>> -> memref<128xf32, #tpu.memory_space<hbm>>
        tpu.enqueue_dma source(%arg9 : memref<128xf32, #tpu.memory_space<vmem>>) target(%dma_start3A_85 : memref<128xf32, #tpu.memory_space<hbm>>) target_semaphore(%run_scoped3A_84 : memref<!tpu.dma_semaphore, #tpu.memory_space<semaphore_mem>>)
        %dma_wait3A = tpu.memref_slice %arg5[%add3A_24] : memref<204800xf32, #tpu.memory_space<hbm>> -> memref<128xf32, #tpu.memory_space<hbm>>
        %dma_wait3A_86 = tpu.memref_slice %arg5[%add3A_24] : memref<204800xf32, #tpu.memory_space<hbm>> -> memref<128xf32, #tpu.memory_space<hbm>>
        tpu.wait_dma2 semaphore(%run_scoped3A_84 : memref<!tpu.dma_semaphore, #tpu.memory_space<semaphore_mem>>) src(%arg9 : memref<128xf32, #tpu.memory_space<vmem>>) dst(%dma_wait3A_86 : memref<128xf32, #tpu.memory_space<hbm>>)
        tpu.yield
      }) : () -> ()
    }
    %scan3A_20 = arith.constant 50 : i32
    return
  }
}

module attributes {stable_mosaic.version = 14 : i64} {
  func.func @_combine(%arg0: i32, %arg1: memref<2x2048x64xf32, #tpu.memory_space<vmem>>, %arg2: memref<2048x64xf32, #tpu.memory_space<vmem>>) attributes {dimension_semantics = [#tpu.dimension_semantics<arbitrary>], iteration_bounds = array<i64: 100>, scalar_prefetch = 0 : i64, scratch_operands = 0 : i64, tpu.core_type = #tpu.core_type<tc>, window_params = [{transform_indices = @transform_0, window_bounds = array<i64: 2, 2048, 64>}, {transform_indices = @transform_1, window_bounds = array<i64: 2048, 64>}]} {
    %get3A = arith.constant 0 : index
    %get3A_0 = arith.constant 0 : index
    %get3A_1 = arith.constant 0 : index
    %get3A_2 = vector.load %arg1[%get3A, %get3A_0, %get3A_1] : memref<2x2048x64xf32, #tpu.memory_space<vmem>>, vector<1x2048x64xf32>
    %get3A_3 = vector.shape_cast %get3A_2 : vector<1x2048x64xf32> to vector<2048x64xf32>
    %get3A_4 = arith.constant 1 : index
    %get3A_5 = arith.constant 0 : index
    %get3A_6 = arith.constant 0 : index
    %get3A_7 = vector.load %arg1[%get3A_4, %get3A_5, %get3A_6] : memref<2x2048x64xf32, #tpu.memory_space<vmem>>, vector<1x2048x64xf32>
    %get3A_8 = vector.shape_cast %get3A_7 : vector<1x2048x64xf32> to vector<2048x64xf32>
    %add3A = arith.addf %get3A_3, %get3A_8 : vector<2048x64xf32>
    %swap3A = arith.constant 0 : index
    %swap3A_9 = arith.constant 0 : index
    %swap3A_10 = vector.load %arg2[%swap3A, %swap3A_9] : memref<2048x64xf32, #tpu.memory_space<vmem>>, vector<2048x64xf32>
    tpu.vector_store %arg2[%swap3A, %swap3A_9], %add3A {strides = array<i32>} : memref<2048x64xf32, #tpu.memory_space<vmem>>, vector<2048x64xf32>,
    return
  }
  func.func @transform_0(%arg0: i32) -> (i32, i32, i32) {
    %c0_i32 = arith.constant 0 : i32
    %c0_i32_0 = arith.constant 0 : i32
    %c0_i32_1 = arith.constant 0 : i32
    return %c0_i32, %arg0, %c0_i32_0 : i32, i32, i32
  }
  func.func @transform_1(%arg0: i32) -> (i32, i32) {
    %c0_i32 = arith.constant 0 : i32
    %c0_i32_0 = arith.constant 0 : i32
    return %arg0, %c0_i32 : i32, i32
  }
}

</mosaic_0001>

<sc_bundles>
// kernel: kernel.5.cloned.1.call-start
scs
__scs_entry_jumppad:
0x0: {  	(pc) =	sbr.rel $0x88, $3  }
0x1: {  	(tag) =	ssettag $0x0;
	lr =	simm.s32 $0x1  }
0x2: {  	[smem:$0x3F9E] =	sst lr;
	_ =	strace $0xD0000000  }
0x3: {  	_ = 	snop  }
0x4: {  	_ = 	snop  }
0x5: {  	_ = 	snop  }
0x6: {  	_ = 	snop  }
0x7: {  	_ = 	snop  }
__scs_overlays_trampoline_lowered:
0x8: {  	[smem:$0x3FAD] =	sst s0  }
0x9: {  	[smem:$0x3FAE] =	sst s1  }
0xa: {  	[smem:$0x3FAF] =	sst s2  }
0xb: {  	[smem:$0x3FB0] =	sst s3  }
0xc: {  	[smem:$0x3FB1] =	sst s4  }
0xd: {  	[smem:$0x3FB2] =	sst s5  }
0xe: {  	[smem:$0x3FB3] =	sst s6  }
0xf: {  	[smem:$0x3FB4] =	sst s7  }
0x10: {  	[smem:$0x3FB5] =	sst s8  }
0x11: {  	[smem:$0x3FB6] =	sst s9;
	s0 =	simm.s32 @!p0 $0x0  }
0x12: {  	s1 =	sld [smem:$0x3F9C];
	s0 =	simm.s32 @p0 $0x1  }
0x13: {  	[smem:$0x3FB7] =	sst s0;
	s0 =	simm.s32 @!p1 $0x0  }
0x14: {  	s2 =	sld [smem:$0x3F9B];
	s0 =	simm.s32 @p1 $0x1  }
0x15: {  	[smem:$0x3FB8] =	sst s0;
	s0 =	simm.s32 @!p2 $0x0  }
0x16: {  	s3 =	sld [smem:$0x3FDB];
	s0 =	simm.s32 @p2 $0x1  }
0x17: {  	s4 =	simm.s32 $0x1BF5;
	[smem:$0x3FBA] =	sst s0  }
0x18: {  	s0 =	sld [smem:$0x3F9D];
	_ =	swait.ge [sflag:s4], $0x0  }
0x19: {  	s7 =	sld [smem:$0x3F9E]  }
0x1a: {  	s8 =	sadd.s32 $0xFFFFE003, lr  }
0x1b: {  	s9 =	sadd.s32 $0xFFFFFEF7, lr;
	s5 =	simm.s32 $0xFFFFFFFF;
	p2 =	slt.u32 s8, $0xFFFFF086  }
0x1c: {  	p1 =	slt.u32 s9, $0xF7A;
	s5 =	simm.s32 @!p2 $0x0  }
0x1d: {  	s5 =	simm.s32 @p1 $0x1;
	p0 =	seq.s32 s7, s2  }
0x1e: {  	s7 =	smul.u32 @!p0 $0xF7A, s2;
	p2 =	seq.s32 @!p0 s5, $0x0  }
0x1f: {  	s9 =	smul.u32 $0xF7A, s1;
	s8 =	simm.s32 @!p0 $0x1BF5;
	p2 =	por !p2, p0  }
0x20: {  	[sflag:s8] =	ssyncset.s32 @!p0 $0xFFFFF086;
	s6 =	sadd.s32 @!p0 s3, s7;
	s7 =	simm.s32 @!p0 $0x108  }
0x21: {  	s3 =	sadd.s32 s3, s9;
	s6 =	sadd.s32 @!p0 $0x88, s6;
	s7 =	simm.s32 @p2 $0x1082  }
0x22: {  	[simem:s7], [sflag:s8] =	dma.local @!p0 [hbm:s6], $0xF7A  }
0x23: {  	s9 =	sor.u32 $0xD0000000, s2;
	s6 =	simm.s32 $0x108;
	_ =	swait.ge @!p0 [sflag:s8], $0x0  }
0x24: {  	s3 =	sadd.s32 $0x88, s3;
	s6 =	simm.s32 @!p1 $0x1082;
	[sflag:s4] =	ssyncset.s32 $0xFFFFF086  }
0x25: {  	[simem:s6], [sflag:s4] =	dma.local [hbm:s3], $0xF7A  }
0x26: {  	[smem:$0x3F9E] =	sst s1;
	(tag) =	ssettag s2;
	_ =	strace s9  }
0x27: {  	s1 =	sld [smem:$0x3FAE]  }
0x28: {  	s2 =	sld [smem:$0x3FAF]  }
0x29: {  	s4 =	sld [smem:$0x3FB1]  }
0x2a: {  	p0 =	seq.s32 s5, $0x0;
	s5 =	sld [smem:$0x3FB2]  }
0x2b: {  	s6 =	sld [smem:$0x3FB3]  }
0x2c: {  	s7 =	sld [smem:$0x3FB4]  }
0x2d: {  	s3 =	simm.s32 $0x108;
	s8 =	sld [smem:$0x3FB5]  }
0x2e: {  	s3 =	simm.s32 @!p0 $0x1082;
	s9 =	sld [smem:$0x3FB6]  }
0x2f: {  	lr =	sadd.s32 s0, s3;
	s0 =	sld [smem:$0x3FAD]  }
0x30: {  	s3 =	sld [smem:$0x3FB0]  }
0x31: {  	[smem:$0x3FB9] =	sst s10  }
0x32: {  	s10 =	sld [smem:$0x3FB7];
	_ =	sdelay $0x3  }
0x33: {  	p0 =	seq.s32 s10, $0x1;
	s10 =	sld [smem:$0x3FB9];
	_ =	sdelay $0x3  }
0x34: {  	[smem:$0x3FB9] =	sst s10  }
0x35: {  	s10 =	sld [smem:$0x3FB8];
	_ =	sdelay $0x3  }
0x36: {  	p1 =	seq.s32 s10, $0x1;
	s10 =	sld [smem:$0x3FB9];
	_ =	sdelay $0x3  }
0x37: {  	[smem:$0x3FB9] =	sst s10  }
0x38: {  	s10 =	sld [smem:$0x3FBA]  }
0x39: {  	_ = 	snop;
	(pc) =	sbr.ind lr, $3  }
0x3a: {  	_ = 	snop  }
0x3b: {  	_ = 	snop  }
0x3c: {  	p2 =	seq.s32 s10, $0x1;
	s10 =	sld [smem:$0x3FB9]  }
0x3d: {  	_ =	shalt  }
0x3e: {  	_ =	shalt  }
0x3f: {  	_ =	shalt  }
0x40: {  	_ =	shalt  }
0x41: {  	_ =	shalt  }
0x42: {  	_ =	shalt  }
0x43: {  	_ =	shalt  }
0x44: {  	_ =	shalt  }
0x45: {  	_ =	shalt  }
0x46: {  	_ =	shalt  }
0x47: {  	_ =	shalt  }
0x48: {  	_ =	shalt  }
0x49: {  	_ =	shalt  }
0x4a: {  	_ =	shalt  }
0x4b: {  	_ =	shalt  }
0x4c: {  	_ =	shalt  }
0x4d: {  	_ =	shalt  }
0x4e: {  	_ =	shalt  }
0x4f: {  	_ =	shalt  }
0x50: {  	_ =	shalt  }
0x51: {  	_ =	shalt  }
0x52: {  	_ =	shalt  }
0x53: {  	_ =	shalt  }
0x54: {  	_ =	shalt  }
0x55: {  	_ =	shalt  }
0x56: {  	_ =	shalt  }
0x57: {  	_ =	shalt  }
0x58: {  	_ =	shalt  }
0x59: {  	_ =	shalt  }
0x5a: {  	_ =	shalt  }
0x5b: {  	_ =	shalt  }
0x5c: {  	_ =	shalt  }
0x5d: {  	_ =	shalt  }
0x5e: {  	_ =	shalt  }
0x5f: {  	_ =	shalt  }
0x60: {  	_ =	shalt  }
0x61: {  	_ =	shalt  }
0x62: {  	_ =	shalt  }
0x63: {  	_ =	shalt  }
0x64: {  	_ =	shalt  }
0x65: {  	_ =	shalt  }
0x66: {  	_ =	shalt  }
0x67: {  	_ =	shalt  }
0x68: {  	_ =	shalt  }
0x69: {  	_ =	shalt  }
0x6a: {  	_ =	shalt  }
0x6b: {  	_ =	shalt  }
0x6c: {  	_ =	shalt  }
0x6d: {  	_ =	shalt  }
0x6e: {  	_ =	shalt  }
0x6f: {  	_ =	shalt  }
0x70: {  	_ =	shalt  }
0x71: {  	_ =	shalt  }
0x72: {  	_ =	shalt  }
0x73: {  	_ =	shalt  }
0x74: {  	_ =	shalt  }
0x75: {  	_ =	shalt  }
0x76: {  	_ =	shalt  }
0x77: {  	_ =	shalt  }
0x78: {  	_ =	shalt  }
0x79: {  	_ =	shalt  }
0x7a: {  	_ =	shalt  }
0x7b: {  	_ =	shalt  }
0x7c: {  	_ =	shalt  }
0x7d: {  	_ =	shalt  }
0x7e: {  	_ =	shalt  }
0x7f: {  	_ =	shalt  }
0x80: {  	_ =	shalt  }
0x81: {  	_ =	shalt  }
0x82: {  	_ =	shalt  }
0x83: {  	_ =	shalt  }
0x84: {  	_ =	shalt  }
0x85: {  	_ =	shalt  }
0x86: {  	_ =	shalt  }
0x87: {  	_ =	shalt  }
.Lfunc_end0:
.L_simem_size_0:
called_computation.1_lowered:
.L_overlay_start_0:
0x88: {  	s2 =	sld [smem:$0x3FD9]  }
0x89: {  	s3 =	sld [smem:$0x3FFE];
	_ =	sdelay $0x1  }
0x8a: {  	s1 =	srdreg.scid  }
0x8b: {  	s0 =	sand.u32 $0x1, s1  }
0x8c: {  	s16 =	sshll.u32 s0, $0xA;
	s2 =	sadd.s32 s3, s2  }
0x8d: {  	s2 =	sadd.s32 s2, s16  }
0x8e: {  	[smem:$0x3FC5] =	sst s2  }
0x8f: {  	_ = 	snop  }
0x90: {  	(tm) =	ssettm $0x1  }
0x91: {  	s17 =	sld [smem:$0x3FFB];
	_ =	sdelay $0x3  }
0x92: {  	_ =	strace s17  }
0x93: {  	s2 =	sld [smem:$0x3FFC];
	_ =	sdelay $0x3  }
0x94: {  	_ =	strace s2  }
0x95: {  	s2 =	sld [smem:$0x3FFD];
	_ =	sdelay $0x3  }
0x96: {  	_ =	strace s2  }
0x97: {  	_ =	strace $0x8FFFFFFF  }
0x98: {  	s18 =	sld [smem:$0x3FDB];
	_ =	sdelay $0x1  }
0x99: {  	s19 =	simm.s32 $_scs_section_size  }
0x9a: {  	s4 =	simm.s32 $_size__tile_overlayer_lowered;
	s5 =	simm.s32 $_tile_overlayer_lowered  }
0x9b: {  	s22 =	simm.s32 $0x1BFF;
	s21 =	sshll.u32 s5, $0x1;
	s2 =	sadd.s32 s19, s18  }
0x9c: {  	s6 =	simm.s32 $0x0;
	s20 =	sshll.u32 s4, $0x1;
	s4 =	sadd.s32 s21, s2  }
0x9d: {  	[timem:s6], [sflag:s22] =	dma.local [hbm:s4], s20  }
0x9e: {  	_ =	swait.ge [sflag:s22], s20  }
0x9f: {  	s3 =	ssub.s32 $0x0, s20;
	[sflag:s22] =	ssyncset.done $0x0  }
0xa0: {  	[sflag:s22] =	ssyncadd.s32 s3;
	_ =	sdelay $0x1  }
0xa1: {  	s23 =	simm.s32 $0x1B8B  }
0xa2: {  	_ =	swait.ge [sflag:s23], $0x1  }
0xa3: {  	[sflag:s23] =	ssyncset.done $0x0  }
0xa4: {  	s25 =	simm.s32 $0x1B8E;
	s24 =	sld [smem:$0x3FFE];
	[sflag:s23] =	ssyncadd.s32 $0xFFFFFFFF  }
0xa5: {  	s26 =	simm.s32 $execute0_lowered;
	[smem:$0x3FD2] =	sst s25  }
0xa6: {  	s4 =	sshll.u32 s26, $0x1;
	_ =	strace $0x80000046;
	[dreg:$0x1] =	wrdreg $0xFFFFFFFF  }
0xa7: {  	s28 =	simm.s32 $_size_execute0_lowered;
	s2 =	sadd.s32 s2, s4;
	[dreg:$0x0] =	wrdreg $0x0  }
0xa8: {  	s4 =	sshll.u32 s28, $0x1;
	[dreg:$0x2] =	wrdreg s2  }
0xa9: {  	[dreg:$0x3] =	wrdreg s4  }
0xaa: {  	[dreg:$0x4] =	wrdreg $0xC0  }
0xab: {  	_ =	task [dreg:s6], $0x5FFFF  }
0xac: {  	[dreg:$0x1] =	wrdreg $0xFFFFFFFF  }
0xad: {  	[dreg:$0x0] =	wrdreg $0x60  }
0xae: {  	[dreg:$0x2] =	wrdreg s24  }
0xaf: {  	[dreg:$0x3] =	wrdreg $0xA000  }
0xb0: {  	[dreg:$0x4] =	wrdreg $0x9  }
0xb1: {  	_ =	task.clear_ibuf [dreg:s6], $0x5FFFF;
	_ =	strace $0x90000046  }
0xb2: {  	s29 =	simm.s32 $0x9;
	_ =	strace $0x80000048  }
0xb3: {  	_ =	swait.ge [sflag:s29], $0x1  }
0xb4: {  	[sflag:s29] =	ssyncadd.s32 $0xFFFFFFFF  }
0xb5: {  	_ =	strace $0x90000048  }
0xb6: {  	_ =	sfence  }
0xb7: {  	s30 =	sld [smem:$0x0];
	_ =	sdelay $0x2  }
0xb8: {  	s31 =	sshll.u32 s1, $0xD;
	s1 =	sshrl.u32 s1, $0x2  }
0xb9: {  	s3 =	sand.u32 $0x4000, s31;
	s1 =	sadd.s32 s1, s30  }
0xba: {  	s0 =	sor.u32 s3, s0;
	s1 =	sshll.u32 s1, $0x11  }
0xbb: {  	s0 =	sor.u32 s1, s0  }
0xbc: {  	s0 =	sadd.s32 $0x8F2B, s0  }
0xbd: {  	[sflag:s0] =	ssyncadd.remote.s32 $0x1  }
0xbe: {  	_ =	sfence.sel $0xFFFF  }
0xbf: {  	[dreg:$0x0] =	wrdreg $0xFFFFFFFF;
	(pc) =	sbr.abs _section_cstart, $3  }
0xc0: {  	[dreg:$0x1] =	wrdreg $0xFFFFFFFF  }
0xc1: {  	_ =	task.clear_ibuf [dreg:s6], $0x2FFFF;
	_ =	strace $0x9FFFFFFF  }
0xc2: {  	(tm) =	ssettm $0x7FFFFFFF  }
0xc3: {  	_ =	shalt  }
tec
execute0_lowered:
.L_overlay_start_1:
0x0: {  	(tag) =	ssettag $0x1  }
0x1: {  	s6 =	rddreg [dreg:$0x0]  }
0x2: {  	s2 =	rddreg [dreg:$0x1]  }
0x3: {  	s0 =	rddreg [dreg:$0x2];
	s3 =	simm.s32 $0x0  }
0x4: {  	s1 =	stileid.u32;
	s5 =	srdreg.scid;
	s13 =	simm.s32 $0x80  }
0x5: {  	s14 =	simm.s32 $0x480;
	s15 =	simm.s32 $0x700;
	s16 =	simm.s32 $0x980  }
0x6: {  	s17 =	simm.s32 $0x0;
	[smem:$0x7FF] =	sst s3;
	s8 =	smul.u32 $0xC350, s1  }
0x7: {  	s4 =	sadd.s32 $0x2E00, s6;
	s9 =	sand.u32 $0x1, s5;
	s11 =	sshll.u32 s1, $0x1  }
0x8: {  	s5 =	sadd.s32 $0x9200, s6;
	s31 =	sshll.u32 s1, $0x6;
	_ =	strace $0x80000047  }
.Ltmp0:
0x9: {  	s28 =	ssub.s32 $0x2, s9;
	s9 =	sor.u32 s9, s11;
	(pc) =	sbr.rel .LBB2_1-.Ltmp0, $4  }
0xa: {  	s7 =	sshrl.u32 s8, $0x3;
	s12 =	sshrl.u32 s28, $0x1;
	s30 =	sadd.s32 s8, s2  }
0xb: {  	s10 =	sadd.s32 s7, s6;
	s6 =	sadd.s32 $0x47A00, s6;
	s29 =	ssub.s32 s28, s12  }
0xc: {  	v0 =	vlaneseq.u32;
	s7 =	smul.u32 $0x1900, s9;
	s9 =	sor.u32 $0x1C01, s31;
	s11 =	sshrl.u32 s30, $0x3  }
0xd: {  	v2 =	vimm.f32 $1.000000000e+00;
	v1 =	vmul.u32 $0x8, v0;
	s12 =	simm.s32 $0x1;
	s8 =	sadd.s32 $0x18FC00, s10;
	s10 =	smax.u32 s29, $0x1  }
.LBB2_22:
0xe: {  	s17 =	sadd.s32 $0x1, s17  }
0xf: {  	p0 =	sne.s32 s17, s10  }
.Ltmp1:
0x10: {  	_ = 	snop;
	(pc) =	sbr.rel @!p0 .LBB2_23-.Ltmp1, $1  }
0x11: {  	_ =	sdelay $0x3  }
.LBB2_1:
0x12: {  	[spmem:s11], [sflag:s9] =	dma.local [hbm:s8], $0x186A  }
0x13: {  	_ =	swait.ge [sflag:s12], $0x186A  }
0x14: {  	[sflag:s12] =	ssyncset.done $0x0  }
0x15: {  	[sflag:s12] =	ssyncadd.s32 $0xFFFFE796  }
0x16: {  	s18 =	simm.s32 $0x0;
	[bflag:$0x0] =	sbarrier.arrive $0xFFFF  }
.LBB2_2:
0x17: {  	s21 =	simm.s32 $0x0  }
0x18: {  	v3 =	vor.u32 s21, v0  }
0x19: {  	v4 =	vmulhi.u32 $0xCCCCCCCD, v3  }
0x1a: {  	s19 =	sshll.u32 s18, $0x7  }
0x1b: {  	s20 =	sadd.s32 s7, s19;
	v4 =	vshrl.u32 v4, $0x2  }
0x1c: {  	s19 =	sshrl.u32 s20, $0x3;
	v5 =	vmul.u32 $0xFFFFFFFB, v4  }
0x1d: {  	s22 =	sadd.s32 s4, s19  }
0x1e: {  	[tilespmem:s21], [sflag:$0x1] =	stream.linear.gather [hbm4b:s22+s21], $0x80, $0x38;
	v3 =	vadd.s32 v3, v5;
	[tilespmem:$0xCD50] =	vst v63  }
0x1f: {  	_ =	swait.ge [sflag:s12], $0x80;
	v4 =	vshll.u32 v4, $0x3;
	v5 =	vand.u32 $0xFFFFFFF8, v3  }
0x20: {  	s30 =	simm.s32 $0x10;
	[sflag:s12] =	ssyncset.done $0x0;
	v3 =	vand.u32 $0x7, v3;
	v4 =	vadd.s32 v4, v5  }
0x21: {  	[sflag:s12] =	ssyncadd.s32 $0xFFFFFF80;
	v3 =	vor.u32 v3, v4;
	v4 =	vor.u32 s30, v0  }
0x22: {  	[tilespmem:s13], [sflag:$0x1] =	stream.indirect.gather [spmem:s2], $0x8, s21, s13, $0xb8;
	v5 =	vmulhi.u32 $0xCCCCCCCD, v4;
	[tilespmem:$0xCD50] =	vst v63  }
0x23: {  	_ =	swait.ge [sflag:s12], $0x400  }
0x24: {  	[sflag:s12] =	ssyncset.done $0x0;
	v5 =	vshrl.u32 v5, $0x2  }
0x25: {  	s21 =	simm.s32 $0x80;
	[sflag:s12] =	ssyncadd.s32 $0xFFFFFC00;
	v6 =	vmul.u32 $0xFFFFFFFB, v5  }
0x26: {  	v3 =	vld.idx.msk [tilespmem:v3+s21+$0x0], $0xffff  }
0x27: {  	v4 =	vadd.s32 v4, v6  }
0x28: {  	v5 =	vshll.u32 v5, $0x3;
	v6 =	vand.u32 $0xFFFFFFF8, v4  }
0x29: {  	s31 =	simm.s32 $0x20;
	v4 =	vand.u32 $0x7, v4;
	v5 =	vadd.s32 v5, v6  }
0x2a: {  	v4 =	vor.u32 v4, v5;
	v5 =	vor.u32 s31, v0  }
0x2b: {  	vm0 =	vlt.s32 v3, $0xC350;
	vm1 =	vgt.s32 v3, $0xC34F;
	v6 =	vmulhi.u32 $0xCCCCCCCD, v5  }
0x2c: {  	s22 =	simm.s32 $0x700;
	v7 =	vnsel vm0, $0xC350, v3;
	v3 =	vnsel vm1, $0xC34F, v3  }
0x2d: {  	v3 =	vadd.s32 $0xFFFF3CB1, v3;
	[tilespmem:s22+$0xFFFFFD80] =	vst v7;
	v6 =	vshrl.u32 v6, $0x2  }
0x2e: {  	[tilespmem:s22+$0x0] =	vst v3;
	v3 =	vmul.u32 $0xFFFFFFFB, v6  }
0x2f: {  	v4 =	vld.idx.msk [tilespmem:v4+s21+$0x0], $0xffff  }
0x30: {  	v3 =	vadd.s32 v5, v3  }
0x31: {  	v6 =	vshll.u32 v6, $0x3;
	v5 =	vand.u32 $0xFFFFFFF8, v3  }
0x32: {  	v3 =	vand.u32 $0x7, v3;
	v5 =	vadd.s32 v6, v5  }
0x33: {  	s23 =	simm.s32 $0x30;
	v5 =	vor.u32 v3, v5  }
0x34: {  	v3 =	vor.u32 s23, v0;
	s23 =	simm.s32 $0x40;
	vm0 =	vlt.s32 v4, $0xC350;
	vm1 =	vgt.s32 v4, $0xC34F  }
.LBB2_3:
0x35: {  	p0 =	sne.s32 s23, $0x70;
	v6 =	vmulhi.u32 $0xCCCCCCCD, v3;
	v7 =	vnsel vm0, $0xC350, v4;
	v4 =	vnsel vm1, $0xC34F, v4;
	s22 =	sadd.s32 $0x10, s22  }
0x36: {  	v4 =	vadd.s32 $0xFFFF3CB1, v4;
	[tilespmem:s22+$0xFFFFFD80] =	vst v7  }
0x37: {  	v6 =	vshrl.u32 v6, $0x2;
	[tilespmem:s22+$0x0] =	vst v4  }
0x38: {  	v7 =	vmul.u32 $0xFFFFFFFB, v6;
	v4 =	vld.idx.msk [tilespmem:v5+s21+$0x0], $0xffff;
	_ =	sdelay $0x1  }
.Ltmp2:
0x39: {  	v3 =	vadd.s32 v3, v7;
	(pc) =	sbr.rel @p0 .LBB2_3-.Ltmp2, $4  }
0x3a: {  	v6 =	vshll.u32 v6, $0x3;
	v5 =	vand.u32 $0xFFFFFFF8, v3  }
0x3b: {  	v3 =	vand.u32 $0x7, v3;
	v5 =	vadd.s32 v6, v5  }
0x3c: {  	v5 =	vor.u32 v3, v5  }
0x3d: {  	v3 =	vor.u32 s23, v0;
	s23 =	sadd.s32 $0x10, s23;
	vm0 =	vlt.s32 v4, $0xC350;
	vm1 =	vgt.s32 v4, $0xC34F  }
0x3e: {  	v6 =	vmulhi.u32 $0xCCCCCCCD, v3  }
0x3f: {  	v7 =	vnsel vm0, $0xC350, v4;
	v4 =	vnsel vm1, $0xC34F, v4;
	s21 =	sadd.s32 $0x10, s22  }
0x40: {  	v4 =	vadd.s32 $0xFFFF3CB1, v4;
	[tilespmem:s21+$0xFFFFFD80] =	vst v7;
	v6 =	vshrl.u32 v6, $0x2  }
0x41: {  	s23 =	simm.s32 $0x80;
	[tilespmem:s21+$0x0] =	vst v4;
	v4 =	vmul.u32 $0xFFFFFFFB, v6  }
0x42: {  	v5 =	vld.idx.msk [tilespmem:v5+s23+$0x0], $0xffff  }
0x43: {  	v3 =	vadd.s32 v3, v4  }
0x44: {  	v6 =	vshll.u32 v6, $0x3;
	v4 =	vand.u32 $0xFFFFFFF8, v3  }
0x45: {  	v3 =	vand.u32 $0x7, v3;
	v4 =	vadd.s32 v6, v4  }
0x46: {  	v3 =	vor.u32 v3, v4  }
0x47: {  	vm12 =	vlt.s32 v5, $0xC350;
	vm13 =	vgt.s32 v5, $0xC34F  }
0x48: {  	s21 =	sadd.s32 $0x10, s21;
	v4 =	vnsel vm12, $0xC350, v5;
	v5 =	vnsel vm13, $0xC34F, v5  }
0x49: {  	v5 =	vadd.s32 $0xFFFF3CB1, v5;
	[tilespmem:s21+$0xFFFFFD80] =	vst v4  }
0x4a: {  	[tilespmem:s21+$0x0] =	vst v5  }
0x4b: {  	v3 =	vld.idx.msk [tilespmem:v3+s23+$0x0], $0xffff;
	_ =	sdelay $0x2  }
0x4c: {  	p3 =	por $0x1, $0x1  }
.Ltmp3:
0x4d: {  	_ = 	snop;
	(pc) =	sbr.rel @!p3 .LBB2_5-.Ltmp3, $4  }
0x4e: {  	vm14 =	vlt.s32 v3, $0xC350;
	vm15 =	vgt.s32 v3, $0xC34F  }
0x4f: {  	s24 =	sadd.s32 $0x10, s21;
	v4 =	vnsel vm14, $0xC350, v3;
	v3 =	vnsel vm15, $0xC34F, v3  }
0x50: {  	s22 =	simm.s32 $0x90;
	p0 =	por $0x0, $0x0;
	v3 =	vadd.s32 $0xFFFF3CB1, v3;
	[tilespmem:s24+$0xFFFFFD80] =	vst v4  }
0x51: {  	p1 =	por $0x0, $0x0;
	p2 =	por $0x0, $0x0;
	s21 =	simm.s32 $0x780;
	v4 =	vor.u32 s23, v0;
	[tilespmem:s24+$0x0] =	vst v3  }
0x52: {  	v3 =	vmulhi.u32 $0xCCCCCCCD, v4;
	_ =	sdelay $0x1  }
0x53: {  	v3 =	vshrl.u32 v3, $0x2  }
0x54: {  	p3 =	por $0x1, $0x1;
	v5 =	vmul.u32 $0xFFFFFFFB, v3  }
.Ltmp4:
0x55: {  	_ = 	snop;
	(pc) =	sbr.rel @!p3 .LBB2_7-.Ltmp4, $4  }
0x56: {  	v4 =	vadd.s32 v4, v5  }
0x57: {  	v3 =	vshll.u32 v3, $0x3;
	v5 =	vand.u32 $0xFFFFFFF8, v4  }
0x58: {  	v4 =	vand.u32 $0x7, v4;
	v3 =	vadd.s32 v3, v5  }
0x59: {  	p0 =	por $0x1, $0x1;
	v5 =	vor.u32 v4, v3;
	v4 =	vor.u32 s22, v0;
	s22 =	simm.s32 $0xA0  }
0x5a: {  	_ =	sdelay $0x1  }
0x5b: {  	v3 =	vmulhi.u32 $0xCCCCCCCD, v4;
	_ =	sdelay $0x1  }
0x5c: {  	v6 =	vshrl.u32 v3, $0x2;
	v3 =	vld.idx.msk [tilespmem:v5+s13+$0x0], $0xffff  }
0x5d: {  	p3 =	por $0x1, $0x1;
	v7 =	vmul.u32 $0xFFFFFFFB, v6  }
.Ltmp5:
0x5e: {  	_ = 	snop;
	(pc) =	sbr.rel @!p3 .LBB2_9-.Ltmp5, $4  }
0x5f: {  	v4 =	vadd.s32 v4, v7  }
0x60: {  	v6 =	vshll.u32 v6, $0x3;
	v5 =	vand.u32 $0xFFFFFFF8, v4  }
0x61: {  	v4 =	vand.u32 $0x7, v4;
	v5 =	vadd.s32 v6, v5;
	vm0 =	vlt.s32 v3, $0xC350  }
0x62: {  	p1 =	por $0x1, $0x1;
	vm1 =	vgt.s32 v3, $0xC34F;
	v5 =	vor.u32 v4, v5;
	v4 =	vor.u32 s22, v0;
	s22 =	simm.s32 $0xB0  }
0x63: {  	v6 =	vmulhi.u32 $0xCCCCCCCD, v4  }
0x64: {  	v7 =	vnsel vm0, $0xC350, v3;
	v8 =	vnsel vm1, $0xC34F, v3  }
0x65: {  	v8 =	vadd.s32 $0xFFFF3CB1, v8;
	[tilespmem:s21+$0xFFFFFD80] =	vst v7;
	v7 =	vshrl.u32 v6, $0x2  }
0x66: {  	[tilespmem:s21+$0x0] =	vst v8;
	v8 =	vmul.u32 $0xFFFFFFFB, v7  }
0x67: {  	p3 =	por $0x1, $0x1;
	v6 =	vld.idx.msk [tilespmem:v5+s13+$0x0], $0xffff  }
.Ltmp6:
0x68: {  	v4 =	vadd.s32 v4, v8;
	(pc) =	sbr.rel @!p3 .LBB2_11-.Ltmp6, $4  }
0x69: {  	v7 =	vshll.u32 v7, $0x3;
	v5 =	vand.u32 $0xFFFFFFF8, v4  }
0x6a: {  	v4 =	vand.u32 $0x7, v4;
	v5 =	vadd.s32 v7, v5  }
0x6b: {  	v5 =	vor.u32 v4, v5  }
0x6c: {  	s23 =	simm.s32 $0xC0;
	p2 =	por $0x1, $0x1;
	v4 =	vor.u32 s22, v0;
	vm2 =	vlt.s32 v6, $0xC350;
	vm3 =	vgt.s32 v6, $0xC34F;
	s22 =	simm.s32 $0x780  }
.LBB2_12:
0x6d: {  	p3 =	sne.s32 s23, $0xF0;
	v7 =	vmulhi.u32 $0xCCCCCCCD, v4;
	v8 =	vnsel vm2, $0xC350, v6;
	v6 =	vnsel vm3, $0xC34F, v6;
	s22 =	sadd.s32 $0x10, s22  }
0x6e: {  	v6 =	vadd.s32 $0xFFFF3CB1, v6;
	[tilespmem:s22+$0xFFFFFD80] =	vst v8  }
0x6f: {  	v7 =	vshrl.u32 v7, $0x2;
	[tilespmem:s22+$0x0] =	vst v6  }
0x70: {  	v8 =	vmul.u32 $0xFFFFFFFB, v7;
	v6 =	vld.idx.msk [tilespmem:v5+s13+$0x0], $0xffff;
	_ =	sdelay $0x1  }
.Ltmp7:
0x71: {  	v4 =	vadd.s32 v4, v8;
	(pc) =	sbr.rel @p3 .LBB2_12-.Ltmp7, $4  }
0x72: {  	v7 =	vshll.u32 v7, $0x3;
	v5 =	vand.u32 $0xFFFFFFF8, v4  }
0x73: {  	v4 =	vand.u32 $0x7, v4;
	v5 =	vadd.s32 v7, v5  }
0x74: {  	v5 =	vor.u32 v4, v5  }
0x75: {  	v4 =	vor.u32 s23, v0;
	s23 =	sadd.s32 $0x10, s23;
	vm2 =	vlt.s32 v6, $0xC350;
	vm3 =	vgt.s32 v6, $0xC34F  }
.LBB2_13:
0x76: {  	s22 =	sadd.s32 @p2 $0x10, s22;
	s23 =	simm.s32 $0x780  }
0x77: {  	v7 =	vmulhi.u32 $0xCCCCCCCD, v4;
	v8 =	vnsel @p1 vm2, $0xC350, v6;
	v6 =	vnsel @p1 vm3, $0xC34F, v6;
	s23 =	smov.u32 @p2 s22  }
0x78: {  	v6 =	vadd.s32 @p1 $0xFFFF3CB1, v6;
	[tilespmem:s23+$0xFFFFFD80] =	vst @p1 v8  }
0x79: {  	v7 =	vshrl.u32 v7, $0x2;
	[tilespmem:s23+$0x0] =	vst @p1 v6  }
0x7a: {  	v6 =	vmul.u32 $0xFFFFFFFB, v7;
	v5 =	vld.idx.msk @p0 [tilespmem:v5+s13+$0x0], $0xffff;
	_ =	sdelay $0x1  }
0x7b: {  	v4 =	vadd.s32 v4, v6  }
0x7c: {  	v7 =	vshll.u32 v7, $0x3;
	v6 =	vand.u32 $0xFFFFFFF8, v4  }
0x7d: {  	v4 =	vand.u32 $0x7, v4;
	v6 =	vadd.s32 v7, v6  }
0x7e: {  	s28 =	simm.s32 $0x100;
	v4 =	vor.u32 v4, v6;
	vm2 =	vlt.s32 @p0 v5, $0xC350  }
0x7f: {  	vm3 =	vgt.s32 @p0 v5, $0xC34F;
	v6 =	vor.u32 s28, v0;
	v3 =	vpsel p0, v5, v3  }
0x80: {  	s22 =	sadd.s32 @p1 $0x10, s23;
	s23 =	simm.s32 $0x780;
	vm0 =	vmmov @p0 vm2;
	vm1 =	vmmov @p0 vm3;
	v5 =	vmulhi.u32 $0xCCCCCCCD, v6  }
0x81: {  	s23 =	smov.u32 @p1 s22;
	v7 =	vnsel @p0 vm0, $0xC350, v3;
	v3 =	vnsel @p0 vm1, $0xC34F, v3  }
0x82: {  	v3 =	vadd.s32 @p0 $0xFFFF3CB1, v3;
	[tilespmem:s23+$0xFFFFFD80] =	vst @p0 v7;
	v5 =	vshrl.u32 v5, $0x2  }
0x83: {  	[tilespmem:s23+$0x0] =	vst @p0 v3;
	v3 =	vmul.u32 $0xFFFFFFFB, v5  }
0x84: {  	v4 =	vld.idx.msk [tilespmem:v4+s13+$0x0], $0xffff  }
0x85: {  	v3 =	vadd.s32 v6, v3  }
0x86: {  	v5 =	vshll.u32 v5, $0x3;
	v6 =	vand.u32 $0xFFFFFFF8, v3  }
0x87: {  	s29 =	simm.s32 $0x110;
	v3 =	vand.u32 $0x7, v3;
	v5 =	vadd.s32 v5, v6  }
0x88: {  	v3 =	vor.u32 v3, v5;
	v5 =	vor.u32 s29, v0  }
0x89: {  	s22 =	sadd.s32 @p0 $0x10, s23;
	vm0 =	vlt.s32 v4, $0xC350;
	vm1 =	vgt.s32 v4, $0xC34F;
	v6 =	vmulhi.u32 $0xCCCCCCCD, v5  }
0x8a: {  	s21 =	smov.u32 @p0 s22;
	v7 =	vnsel vm0, $0xC350, v4;
	v4 =	vnsel vm1, $0xC34F, v4  }
0x8b: {  	v4 =	vadd.s32 $0xFFFF3CB1, v4;
	[tilespmem:s21+$0xFFFFFD80] =	vst v7;
	v6 =	vshrl.u32 v6, $0x2  }
0x8c: {  	[tilespmem:s21+$0x0] =	vst v4;
	v4 =	vmul.u32 $0xFFFFFFFB, v6  }
0x8d: {  	v3 =	vld.idx.msk [tilespmem:v3+s13+$0x0], $0xffff  }
0x8e: {  	v4 =	vadd.s32 v5, v4  }
0x8f: {  	v6 =	vshll.u32 v6, $0x3;
	v5 =	vand.u32 $0xFFFFFFF8, v4  }
0x90: {  	s30 =	simm.s32 $0x120;
	v4 =	vand.u32 $0x7, v4;
	v5 =	vadd.s32 v6, v5  }
0x91: {  	v4 =	vor.u32 v4, v5;
	v5 =	vor.u32 s30, v0  }
0x92: {  	vm0 =	vlt.s32 v3, $0xC350;
	vm1 =	vgt.s32 v3, $0xC34F;
	v6 =	vmulhi.u32 $0xCCCCCCCD, v5  }
0x93: {  	s21 =	simm.s32 $0x800;
	v7 =	vnsel vm0, $0xC350, v3;
	v3 =	vnsel vm1, $0xC34F, v3  }
0x94: {  	v3 =	vadd.s32 $0xFFFF3CB1, v3;
	[tilespmem:s21+$0xFFFFFD80] =	vst v7;
	v6 =	vshrl.u32 v6, $0x2  }
0x95: {  	[tilespmem:s21+$0x0] =	vst v3;
	v3 =	vmul.u32 $0xFFFFFFFB, v6  }
0x96: {  	v4 =	vld.idx.msk [tilespmem:v4+s13+$0x0], $0xffff  }
0x97: {  	v3 =	vadd.s32 v5, v3  }
0x98: {  	v6 =	vshll.u32 v6, $0x3;
	v5 =	vand.u32 $0xFFFFFFF8, v3  }
0x99: {  	v3 =	vand.u32 $0x7, v3;
	v5 =	vadd.s32 v6, v5  }
0x9a: {  	s31 =	simm.s32 $0x130;
	v5 =	vor.u32 v3, v5  }
0x9b: {  	s22 =	simm.s32 $0x140;
	v3 =	vor.u32 s31, v0;
	vm0 =	vlt.s32 v4, $0xC350;
	vm1 =	vgt.s32 v4, $0xC34F  }
.LBB2_14:
0x9c: {  	p0 =	sne.s32 s22, $0x170;
	v6 =	vmulhi.u32 $0xCCCCCCCD, v3;
	v7 =	vnsel vm0, $0xC350, v4;
	v4 =	vnsel vm1, $0xC34F, v4;
	s21 =	sadd.s32 $0x10, s21  }
0x9d: {  	v4 =	vadd.s32 $0xFFFF3CB1, v4;
	[tilespmem:s21+$0xFFFFFD80] =	vst v7  }
0x9e: {  	v6 =	vshrl.u32 v6, $0x2;
	[tilespmem:s21+$0x0] =	vst v4  }
0x9f: {  	v7 =	vmul.u32 $0xFFFFFFFB, v6;
	v4 =	vld.idx.msk [tilespmem:v5+s13+$0x0], $0xffff;
	_ =	sdelay $0x1  }
.Ltmp8:
0xa0: {  	v3 =	vadd.s32 v3, v7;
	(pc) =	sbr.rel @p0 .LBB2_14-.Ltmp8, $4  }
0xa1: {  	v6 =	vshll.u32 v6, $0x3;
	v5 =	vand.u32 $0xFFFFFFF8, v3  }
0xa2: {  	v3 =	vand.u32 $0x7, v3;
	v5 =	vadd.s32 v6, v5  }
0xa3: {  	v5 =	vor.u32 v3, v5  }
0xa4: {  	v3 =	vor.u32 s22, v0;
	s22 =	sadd.s32 $0x10, s22;
	vm0 =	vlt.s32 v4, $0xC350;
	vm1 =	vgt.s32 v4, $0xC34F  }
0xa5: {  	v6 =	vmulhi.u32 $0xCCCCCCCD, v3  }
0xa6: {  	v7 =	vnsel vm0, $0xC350, v4;
	v4 =	vnsel vm1, $0xC34F, v4;
	s21 =	sadd.s32 $0x10, s21  }
0xa7: {  	v4 =	vadd.s32 $0xFFFF3CB1, v4;
	[tilespmem:s21+$0xFFFFFD80] =	vst v7;
	v6 =	vshrl.u32 v6, $0x2  }
0xa8: {  	[tilespmem:s21+$0x0] =	vst v4;
	v4 =	vmul.u32 $0xFFFFFFFB, v6  }
0xa9: {  	v5 =	vld.idx.msk [tilespmem:v5+s13+$0x0], $0xffff  }
0xaa: {  	v3 =	vadd.s32 v3, v4  }
0xab: {  	v6 =	vshll.u32 v6, $0x3;
	v4 =	vand.u32 $0xFFFFFFF8, v3  }
0xac: {  	s22 =	simm.s32 $0x180;
	v3 =	vand.u32 $0x7, v3;
	v4 =	vadd.s32 v6, v4  }
0xad: {  	v3 =	vor.u32 v3, v4;
	v4 =	vor.u32 s22, v0  }
0xae: {  	vm0 =	vlt.s32 v5, $0xC350;
	vm1 =	vgt.s32 v5, $0xC34F;
	v6 =	vmulhi.u32 $0xCCCCCCCD, v4  }
0xaf: {  	s21 =	sadd.s32 $0x10, s21;
	v7 =	vnsel vm0, $0xC350, v5;
	v5 =	vnsel vm1, $0xC34F, v5  }
0xb0: {  	v5 =	vadd.s32 $0xFFFF3CB1, v5;
	[tilespmem:s21+$0xFFFFFD80] =	vst v7;
	v6 =	vshrl.u32 v6, $0x2  }
0xb1: {  	[tilespmem:s21+$0x0] =	vst v5;
	v5 =	vmul.u32 $0xFFFFFFFB, v6  }
0xb2: {  	v3 =	vld.idx.msk [tilespmem:v3+s13+$0x0], $0xffff  }
0xb3: {  	v4 =	vadd.s32 v4, v5  }
0xb4: {  	v6 =	vshll.u32 v6, $0x3;
	v5 =	vand.u32 $0xFFFFFFF8, v4  }
0xb5: {  	s29 =	simm.s32 $0x190;
	v4 =	vand.u32 $0x7, v4;
	v5 =	vadd.s32 v6, v5  }
0xb6: {  	v4 =	vor.u32 v4, v5;
	v5 =	vor.u32 s29, v0  }
0xb7: {  	vm0 =	vlt.s32 v3, $0xC350;
	vm1 =	vgt.s32 v3, $0xC34F;
	v6 =	vmulhi.u32 $0xCCCCCCCD, v5  }
0xb8: {  	s21 =	sadd.s32 $0x10, s21;
	v7 =	vnsel vm0, $0xC350, v3;
	v3 =	vnsel vm1, $0xC34F, v3  }
0xb9: {  	v3 =	vadd.s32 $0xFFFF3CB1, v3;
	[tilespmem:s21+$0xFFFFFD80] =	vst v7;
	v6 =	vshrl.u32 v6, $0x2  }
0xba: {  	[tilespmem:s21+$0x0] =	vst v3;
	v3 =	vmul.u32 $0xFFFFFFFB, v6  }
0xbb: {  	v4 =	vld.idx.msk [tilespmem:v4+s13+$0x0], $0xffff  }
0xbc: {  	v3 =	vadd.s32 v5, v3  }
0xbd: {  	v6 =	vshll.u32 v6, $0x3;
	v5 =	vand.u32 $0xFFFFFFF8, v3  }
0xbe: {  	s30 =	simm.s32 $0x1A0;
	v3 =	vand.u32 $0x7, v3;
	v5 =	vadd.s32 v6, v5  }
0xbf: {  	v3 =	vor.u32 v3, v5;
	v5 =	vor.u32 s30, v0  }
0xc0: {  	vm0 =	vlt.s32 v4, $0xC350;
	vm1 =	vgt.s32 v4, $0xC34F;
	v6 =	vmulhi.u32 $0xCCCCCCCD, v5  }
0xc1: {  	s21 =	simm.s32 $0x880;
	v7 =	vnsel vm0, $0xC350, v4;
	v4 =	vnsel vm1, $0xC34F, v4  }
0xc2: {  	v4 =	vadd.s32 $0xFFFF3CB1, v4;
	[tilespmem:s21+$0xFFFFFD80] =	vst v7;
	v6 =	vshrl.u32 v6, $0x2  }
0xc3: {  	[tilespmem:s21+$0x0] =	vst v4;
	v7 =	vmul.u32 $0xFFFFFFFB, v6  }
0xc4: {  	v4 =	vld.idx.msk [tilespmem:v3+s13+$0x0], $0xffff  }
0xc5: {  	v3 =	vadd.s32 v5, v7  }
0xc6: {  	v6 =	vshll.u32 v6, $0x3;
	v5 =	vand.u32 $0xFFFFFFF8, v3  }
0xc7: {  	v3 =	vand.u32 $0x7, v3;
	v5 =	vadd.s32 v6, v5  }
0xc8: {  	s31 =	simm.s32 $0x1B0;
	v5 =	vor.u32 v3, v5  }
0xc9: {  	s22 =	simm.s32 $0x1C0;
	v3 =	vor.u32 s31, v0;
	vm0 =	vlt.s32 v4, $0xC350;
	vm1 =	vgt.s32 v4, $0xC34F  }
.LBB2_16:
0xca: {  	p0 =	sne.s32 s22, $0x1F0;
	v6 =	vmulhi.u32 $0xCCCCCCCD, v3;
	v7 =	vnsel vm0, $0xC350, v4;
	v4 =	vnsel vm1, $0xC34F, v4;
	s21 =	sadd.s32 $0x10, s21  }
0xcb: {  	v4 =	vadd.s32 $0xFFFF3CB1, v4;
	[tilespmem:s21+$0xFFFFFD80] =	vst v7  }
0xcc: {  	v6 =	vshrl.u32 v6, $0x2;
	[tilespmem:s21+$0x0] =	vst v4  }
0xcd: {  	v7 =	vmul.u32 $0xFFFFFFFB, v6;
	v4 =	vld.idx.msk [tilespmem:v5+s13+$0x0], $0xffff;
	_ =	sdelay $0x1  }
.Ltmp9:
0xce: {  	v3 =	vadd.s32 v3, v7;
	(pc) =	sbr.rel @p0 .LBB2_16-.Ltmp9, $4  }
0xcf: {  	v6 =	vshll.u32 v6, $0x3;
	v5 =	vand.u32 $0xFFFFFFF8, v3  }
0xd0: {  	v3 =	vand.u32 $0x7, v3;
	v5 =	vadd.s32 v6, v5  }
0xd1: {  	v5 =	vor.u32 v3, v5  }
0xd2: {  	v3 =	vor.u32 s22, v0;
	s22 =	sadd.s32 $0x10, s22;
	vm0 =	vlt.s32 v4, $0xC350;
	vm1 =	vgt.s32 v4, $0xC34F  }
0xd3: {  	v6 =	vmulhi.u32 $0xCCCCCCCD, v3  }
0xd4: {  	v7 =	vnsel vm0, $0xC350, v4;
	v4 =	vnsel vm1, $0xC34F, v4;
	s21 =	sadd.s32 $0x10, s21  }
0xd5: {  	v4 =	vadd.s32 $0xFFFF3CB1, v4;
	[tilespmem:s21+$0xFFFFFD80] =	vst v7;
	v6 =	vshrl.u32 v6, $0x2  }
0xd6: {  	[tilespmem:s21+$0x0] =	vst v4;
	v4 =	vmul.u32 $0xFFFFFFFB, v6  }
0xd7: {  	v5 =	vld.idx.msk [tilespmem:v5+s13+$0x0], $0xffff  }
0xd8: {  	v3 =	vadd.s32 v3, v4  }
0xd9: {  	v6 =	vshll.u32 v6, $0x3;
	v4 =	vand.u32 $0xFFFFFFF8, v3  }
0xda: {  	s22 =	simm.s32 $0x200;
	v3 =	vand.u32 $0x7, v3;
	v4 =	vadd.s32 v6, v4  }
0xdb: {  	v3 =	vor.u32 v3, v4;
	v4 =	vor.u32 s22, v0  }
0xdc: {  	vm0 =	vlt.s32 v5, $0xC350;
	vm1 =	vgt.s32 v5, $0xC34F;
	v6 =	vmulhi.u32 $0xCCCCCCCD, v4  }
0xdd: {  	s21 =	sadd.s32 $0x10, s21;
	v7 =	vnsel vm0, $0xC350, v5;
	v5 =	vnsel vm1, $0xC34F, v5  }
0xde: {  	v5 =	vadd.s32 $0xFFFF3CB1, v5;
	[tilespmem:s21+$0xFFFFFD80] =	vst v7;
	v6 =	vshrl.u32 v6, $0x2  }
0xdf: {  	[tilespmem:s21+$0x0] =	vst v5;
	v5 =	vmul.u32 $0xFFFFFFFB, v6  }
0xe0: {  	v3 =	vld.idx.msk [tilespmem:v3+s13+$0x0], $0xffff  }
0xe1: {  	v4 =	vadd.s32 v4, v5  }
0xe2: {  	v6 =	vshll.u32 v6, $0x3;
	v5 =	vand.u32 $0xFFFFFFF8, v4  }
0xe3: {  	s29 =	simm.s32 $0x210;
	v4 =	vand.u32 $0x7, v4;
	v5 =	vadd.s32 v6, v5  }
0xe4: {  	v4 =	vor.u32 v4, v5;
	v5 =	vor.u32 s29, v0  }
0xe5: {  	vm0 =	vlt.s32 v3, $0xC350;
	vm1 =	vgt.s32 v3, $0xC34F;
	v6 =	vmulhi.u32 $0xCCCCCCCD, v5  }
0xe6: {  	s21 =	sadd.s32 $0x10, s21;
	v7 =	vnsel vm0, $0xC350, v3;
	v3 =	vnsel vm1, $0xC34F, v3  }
0xe7: {  	v3 =	vadd.s32 $0xFFFF3CB1, v3;
	[tilespmem:s21+$0xFFFFFD80] =	vst v7;
	v6 =	vshrl.u32 v6, $0x2  }
0xe8: {  	[tilespmem:s21+$0x0] =	vst v3;
	v3 =	vmul.u32 $0xFFFFFFFB, v6  }
0xe9: {  	v4 =	vld.idx.msk [tilespmem:v4+s13+$0x0], $0xffff  }
0xea: {  	v3 =	vadd.s32 v5, v3  }
0xeb: {  	v6 =	vshll.u32 v6, $0x3;
	v5 =	vand.u32 $0xFFFFFFF8, v3  }
0xec: {  	s30 =	simm.s32 $0x220;
	v3 =	vand.u32 $0x7, v3;
	v5 =	vadd.s32 v6, v5  }
0xed: {  	v3 =	vor.u32 v3, v5;
	v5 =	vor.u32 s30, v0  }
0xee: {  	vm0 =	vlt.s32 v4, $0xC350;
	vm1 =	vgt.s32 v4, $0xC34F;
	v6 =	vmulhi.u32 $0xCCCCCCCD, v5  }
0xef: {  	s21 =	simm.s32 $0x900;
	v7 =	vnsel vm0, $0xC350, v4;
	v4 =	vnsel vm1, $0xC34F, v4  }
0xf0: {  	v4 =	vadd.s32 $0xFFFF3CB1, v4;
	[tilespmem:s21+$0xFFFFFD80] =	vst v7;
	v6 =	vshrl.u32 v6, $0x2  }
0xf1: {  	[tilespmem:s21+$0x0] =	vst v4;
	v7 =	vmul.u32 $0xFFFFFFFB, v6  }
0xf2: {  	v4 =	vld.idx.msk [tilespmem:v3+s13+$0x0], $0xffff  }
0xf3: {  	v3 =	vadd.s32 v5, v7  }
0xf4: {  	v6 =	vshll.u32 v6, $0x3;
	v5 =	vand.u32 $0xFFFFFFF8, v3  }
0xf5: {  	v3 =	vand.u32 $0x7, v3;
	v5 =	vadd.s32 v6, v5  }
0xf6: {  	s31 =	simm.s32 $0x230;
	v5 =	vor.u32 v3, v5  }
0xf7: {  	s22 =	simm.s32 $0x240;
	v3 =	vor.u32 s31, v0;
	vm0 =	vlt.s32 v4, $0xC350;
	vm1 =	vgt.s32 v4, $0xC34F  }
.LBB2_18:
0xf8: {  	p0 =	sne.s32 s22, $0x270;
	v6 =	vmulhi.u32 $0xCCCCCCCD, v3;
	v7 =	vnsel vm0, $0xC350, v4;
	v4 =	vnsel vm1, $0xC34F, v4;
	s21 =	sadd.s32 $0x10, s21  }
0xf9: {  	v4 =	vadd.s32 $0xFFFF3CB1, v4;
	[tilespmem:s21+$0xFFFFFD80] =	vst v7  }
0xfa: {  	v6 =	vshrl.u32 v6, $0x2;
	[tilespmem:s21+$0x0] =	vst v4  }
0xfb: {  	v7 =	vmul.u32 $0xFFFFFFFB, v6;
	v4 =	vld.idx.msk [tilespmem:v5+s13+$0x0], $0xffff;
	_ =	sdelay $0x1  }
.Ltmp10:
0xfc: {  	v3 =	vadd.s32 v3, v7;
	(pc) =	sbr.rel @p0 .LBB2_18-.Ltmp10, $4  }
0xfd: {  	v6 =	vshll.u32 v6, $0x3;
	v5 =	vand.u32 $0xFFFFFFF8, v3  }
0xfe: {  	v3 =	vand.u32 $0x7, v3;
	v5 =	vadd.s32 v6, v5  }
0xff: {  	v5 =	vor.u32 v3, v5  }
0x100: {  	v3 =	vor.u32 s22, v0;
	s22 =	sadd.s32 $0x10, s22;
	vm0 =	vlt.s32 v4, $0xC350;
	vm1 =	vgt.s32 v4, $0xC34F  }
0x101: {  	v6 =	vmulhi.u32 $0xCCCCCCCD, v3  }
0x102: {  	v7 =	vnsel vm0, $0xC350, v4;
	v4 =	vnsel vm1, $0xC34F, v4;
	s21 =	sadd.s32 $0x10, s21  }
0x103: {  	v4 =	vadd.s32 $0xFFFF3CB1, v4;
	[tilespmem:s21+$0xFFFFFD80] =	vst v7;
	v6 =	vshrl.u32 v6, $0x2  }
0x104: {  	[tilespmem:s21+$0x0] =	vst v4;
	v4 =	vmul.u32 $0xFFFFFFFB, v6  }
0x105: {  	v5 =	vld.idx.msk [tilespmem:v5+s13+$0x0], $0xffff  }
0x106: {  	v3 =	vadd.s32 v3, v4  }
0x107: {  	v6 =	vshll.u32 v6, $0x3;
	v4 =	vand.u32 $0xFFFFFFF8, v3  }
0x108: {  	v3 =	vand.u32 $0x7, v3;
	v4 =	vadd.s32 v6, v4  }
0x109: {  	v3 =	vor.u32 v3, v4  }
0x10a: {  	vm14 =	vlt.s32 v5, $0xC350;
	vm15 =	vgt.s32 v5, $0xC34F  }
0x10b: {  	s21 =	sadd.s32 $0x10, s21;
	v4 =	vnsel vm14, $0xC350, v5;
	v5 =	vnsel vm15, $0xC34F, v5  }
0x10c: {  	v5 =	vadd.s32 $0xFFFF3CB1, v5;
	[tilespmem:s21+$0xFFFFFD80] =	vst v4  }
0x10d: {  	[tilespmem:s21+$0x0] =	vst v5  }
0x10e: {  	v3 =	vld.idx.msk [tilespmem:v3+s13+$0x0], $0xffff  }
0x10f: {  	s22 =	simm.s32 $0x0  }
0x110: {  	v4 =	vmov s22  }
0x111: {  	v4 =	vshll.u32 v4, $0x3  }
0x112: {  	v4 =	vor.u32 v1, v4  }
0x113: {  	v5 =	vor.u32 $0x1, v4;
	vm4 =	vlt.s32 v3, $0xC350;
	vm5 =	vgt.s32 v3, $0xC34F  }
0x114: {  	s21 =	sadd.s32 $0x10, s21;
	v58 =	vnsel vm4, $0xC350, v3;
	v3 =	vnsel vm5, $0xC34F, v3  }
0x115: {  	v59 =	vor.u32 $0x2, v4;
	v3 =	vadd.s32 $0xFFFF3CB1, v3;
	[tilespmem:s21+$0xFFFFFD80] =	vst v58  }
0x116: {  	[tilespmem:s21+$0x0] =	vst v3  }
0x117: {  	v60 =	vor.u32 $0x3, v4;
	v3 =	vld.idx.msk [tilespmem:v4+s13+$0x0], $0xffff  }
0x118: {  	v5 =	vld.idx.msk [tilespmem:v5+s13+$0x0], $0xffff  }
0x119: {  	v4 =	vor.u32 $0x4, v4  }
0x11a: {  	v6 =	vld.idx.msk [tilespmem:v59+s13+$0x0], $0xffff;
	_ =	sdelay $0x1  }
0x11b: {  	v7 =	vld.idx.msk [tilespmem:v60+s13+$0x0], $0xffff  }
0x11c: {  	vm6 =	veq.s32 v3, $0x0;
	vm7 =	veq.s32 v5, $0x0  }
0x11d: {  	v3 =	vld.idx.msk [tilespmem:v4+s13+$0x0], $0xffff;
	v4 =	vsel vm6, $0x0, v2;
	v5 =	vsel vm7, $0x0, v2  }
0x11e: {  	vm8 =	veq.s32 v6, $0x0;
	v4 =	vadd.f32 v5, v4  }
0x11f: {  	v5 =	vsel vm8, $0x0, v2  }
0x120: {  	vm9 =	veq.s32 v7, $0x0;
	v4 =	vadd.f32 v5, v4  }
0x121: {  	v5 =	vsel vm9, $0x0, v2  }
0x122: {  	vm10 =	veq.s32 v3, $0x0;
	v4 =	vadd.f32 v5, v4  }
0x123: {  	v3 =	vsel vm10, $0x0, v2  }
0x124: {  	v3 =	vadd.f32 v3, v4;
	_ =	sdelay $0x1  }
0x125: {  	v3 =	vadd.f32 $9.999999970e-07, v3;
	_ =	sdelay $0x1  }
0x126: {  	(erf) = vrcp.f32 v3;
	_ =	sdelay $0x2  }
0x127: {  	s30 =	simm.s32 $0x10  }
0x128: {  	v3 =	vmov s30  }
0x129: {  	v3 =	vshll.u32 v3, $0x3  }
0x12a: {  	v3 =	vor.u32 v1, v3  }
0x12b: {  	v4 =	vor.u32 $0x1, v3;
	_ =	sdelay $0x1  }
0x12c: {  	s21 =	simm.s32 $0x980;
	v5 =	vor.u32 $0x2, v3;
	v61 =	vpop (erf)  }
0x12d: {  	[tilespmem:s21+$0x0] =	vst v61  }
0x12e: {  	v62 =	vor.u32 $0x3, v3;
	v6 =	vld.idx.msk [tilespmem:v3+s13+$0x0], $0xffff  }
0x12f: {  	v4 =	vld.idx.msk [tilespmem:v4+s13+$0x0], $0xffff  }
0x130: {  	v3 =	vor.u32 $0x4, v3  }
0x131: {  	v5 =	vld.idx.msk [tilespmem:v5+s13+$0x0], $0xffff;
	_ =	sdelay $0x1  }
0x132: {  	v7 =	vld.idx.msk [tilespmem:v62+s13+$0x0], $0xffff  }
0x133: {  	vm11 =	veq.s32 v6, $0x0;
	vm12 =	veq.s32 v4, $0x0  }
0x134: {  	v3 =	vld.idx.msk [tilespmem:v3+s13+$0x0], $0xffff;
	v4 =	vsel vm11, $0x0, v2;
	v63 =	vsel vm12, $0x0, v2  }
0x135: {  	vm13 =	veq.s32 v5, $0x0;
	v4 =	vadd.f32 v63, v4  }
0x136: {  	v5 =	vsel vm13, $0x0, v2  }
0x137: {  	vm14 =	veq.s32 v7, $0x0;
	v4 =	vadd.f32 v5, v4  }
0x138: {  	v5 =	vsel vm14, $0x0, v2  }
0x139: {  	vm15 =	veq.s32 v3, $0x0;
	v4 =	vadd.f32 v5, v4  }
0x13a: {  	v3 =	vsel vm15, $0x0, v2  }
0x13b: {  	v3 =	vadd.f32 v3, v4;
	_ =	sdelay $0x1  }
0x13c: {  	v3 =	vadd.f32 $9.999999970e-07, v3;
	_ =	sdelay $0x1  }
0x13d: {  	(erf) = vrcp.f32 v3;
	_ =	sdelay $0x2  }
0x13e: {  	s31 =	simm.s32 $0x20  }
0x13f: {  	s22 =	simm.s32 $0x30;
	v3 =	vmov s31  }
.LBB2_20:
0x140: {  	p0 =	sne.s32 s22, $0x70;
	v3 =	vshll.u32 v3, $0x3  }
0x141: {  	v3 =	vor.u32 v1, v3  }
0x142: {  	v4 =	vor.u32 $0x1, v3;
	_ =	sdelay $0x1  }
0x143: {  	s21 =	sadd.s32 $0x10, s21;
	v5 =	vor.u32 $0x2, v3;
	v6 =	vpop (erf)  }
0x144: {  	[tilespmem:s21+$0x0] =	vst v6  }
0x145: {  	v7 =	vor.u32 $0x3, v3;
	v6 =	vld.idx.msk [tilespmem:v3+s13+$0x0], $0xffff  }
0x146: {  	v4 =	vld.idx.msk [tilespmem:v4+s13+$0x0], $0xffff  }
0x147: {  	v3 =	vor.u32 $0x4, v3  }
0x148: {  	v5 =	vld.idx.msk [tilespmem:v5+s13+$0x0], $0xffff;
	_ =	sdelay $0x1  }
0x149: {  	v7 =	vld.idx.msk [tilespmem:v7+s13+$0x0], $0xffff;
	_ =	sdelay $0x1  }
0x14a: {  	vm0 =	veq.s32 v6, $0x0;
	vm1 =	veq.s32 v4, $0x0;
	v3 =	vld.idx.msk [tilespmem:v3+s13+$0x0], $0xffff  }
0x14b: {  	v4 =	vsel vm0, $0x0, v2;
	v6 =	vsel vm1, $0x0, v2  }
0x14c: {  	v4 =	vadd.f32 v6, v4;
	vm0 =	veq.s32 v5, $0x0  }
0x14d: {  	v5 =	vsel vm0, $0x0, v2  }
0x14e: {  	v4 =	vadd.f32 v5, v4;
	vm0 =	veq.s32 v7, $0x0  }
0x14f: {  	v5 =	vsel vm0, $0x0, v2  }
0x150: {  	v4 =	vadd.f32 v5, v4;
	vm0 =	veq.s32 v3, $0x0  }
0x151: {  	v3 =	vsel vm0, $0x0, v2  }
0x152: {  	v3 =	vadd.f32 v3, v4;
	_ =	sdelay $0x1  }
0x153: {  	v3 =	vadd.f32 $9.999999970e-07, v3;
	_ =	sdelay $0x1  }
.Ltmp11:
0x154: {  	(erf) = vrcp.f32 v3;
	(pc) =	sbr.rel @p0 .LBB2_20-.Ltmp11, $2  }
0x155: {  	_ =	sdelay $0x2  }
0x156: {  	v3 =	vmov s22;
	s22 =	sadd.s32 $0x10, s22  }
0x157: {  	v3 =	vshll.u32 v3, $0x3  }
0x158: {  	v3 =	vor.u32 v1, v3  }
0x159: {  	v4 =	vor.u32 $0x1, v3;
	_ =	sdelay $0x1  }
0x15a: {  	s21 =	sadd.s32 $0x10, s21;
	v5 =	vor.u32 $0x2, v3;
	v6 =	vpop (erf)  }
0x15b: {  	[tilespmem:s21+$0x0] =	vst v6  }
0x15c: {  	v7 =	vor.u32 $0x3, v3;
	v6 =	vld.idx.msk [tilespmem:v3+s13+$0x0], $0xffff  }
0x15d: {  	v4 =	vld.idx.msk [tilespmem:v4+s13+$0x0], $0xffff  }
0x15e: {  	v3 =	vor.u32 $0x4, v3  }
0x15f: {  	v5 =	vld.idx.msk [tilespmem:v5+s13+$0x0], $0xffff;
	_ =	sdelay $0x1  }
0x160: {  	v7 =	vld.idx.msk [tilespmem:v7+s13+$0x0], $0xffff  }
0x161: {  	vm0 =	veq.s32 v6, $0x0;
	vm1 =	veq.s32 v4, $0x0  }
0x162: {  	v3 =	vld.idx.msk [tilespmem:v3+s13+$0x0], $0xffff;
	v61 =	vsel vm0, $0x0, v2;
	v62 =	vsel vm1, $0x0, v2  }
0x163: {  	vm13 =	veq.s32 v5, $0x0;
	v4 =	vadd.f32 v62, v61  }
0x164: {  	v5 =	vsel vm13, $0x0, v2  }
0x165: {  	vm14 =	veq.s32 v7, $0x0;
	v4 =	vadd.f32 v5, v4  }
0x166: {  	v63 =	vsel vm14, $0x0, v2  }
0x167: {  	vm15 =	veq.s32 v3, $0x0;
	v4 =	vadd.f32 v63, v4  }
0x168: {  	v3 =	vsel vm15, $0x0, v2  }
0x169: {  	v3 =	vadd.f32 v3, v4;
	_ =	sdelay $0x1  }
0x16a: {  	v3 =	vadd.f32 $9.999999970e-07, v3;
	_ =	sdelay $0x1  }
0x16b: {  	(erf) = vrcp.f32 v3;
	_ =	sdelay $0x5  }
0x16c: {  	s20 =	sshrl.u32 s20, $0x7  }
0x16d: {  	s20 =	smul.u32 $0x280, s20;
	_ =	sdelay $0x1  }
0x16e: {  	s20 =	sshrl.u32 s20, $0x3;
	s21 =	sadd.s32 $0x10, s21;
	v3 =	vpop (erf)  }
0x16f: {  	s20 =	sadd.s32 s5, s20;
	[tilespmem:s21+$0x0] =	vst v3  }
0x170: {  	[hbm4b:s20+s3] =	stream.linear.scatter [tilespmem:s14], [sflag:$0x1], $0x280, $0x38;
	[tilespmem:$0xCD50] =	vst v63  }
0x171: {  	_ =	swait.ge [sflag:s12], $0x280  }
0x172: {  	[sflag:s12] =	ssyncset.done $0x0  }
0x173: {  	s20 =	sadd.s32 $0x1F400, s20;
	[sflag:s12] =	ssyncadd.s32 $0xFFFFFD80  }
0x174: {  	[hbm4b:s20+s3] =	stream.linear.scatter [tilespmem:s15], [sflag:$0x1], $0x280, $0x38;
	[tilespmem:$0xCD50] =	vst v63  }
0x175: {  	_ =	swait.ge [sflag:s12], $0x280  }
0x176: {  	s18 =	sadd.s32 $0x1, s18;
	[sflag:s12] =	ssyncset.done $0x0  }
0x177: {  	s19 =	sadd.s32 s6, s19;
	p0 =	sne.s32 s18, $0x32;
	[sflag:s12] =	ssyncadd.s32 $0xFFFFFD80  }
0x178: {  	[hbm4b:s19+s3] =	stream.linear.scatter [tilespmem:s16], [sflag:$0x1], $0x80, $0x38;
	[tilespmem:$0xCD50] =	vst v63  }
.Ltmp12:
0x179: {  	_ = 	snop;
	(pc) =	sbr.rel @p0 .LBB2_2-.Ltmp12, $4  }
.Ltmp13:
0x17a: {  	_ = 	snop;
	(pc) =	sbr.rel @!p0 .LBB2_22-.Ltmp13, $4  }
0x17b: {  	_ =	swait.ge [sflag:s12], $0x80  }
0x17c: {  	[sflag:s12] =	ssyncset.done $0x0  }
0x17d: {  	[sflag:s12] =	ssyncadd.s32 $0xFFFFFF80  }
0x17e: {  	_ = 	snop  }
.LBB2_5:
.Ltmp14:
0x17f: {  	(pc) =	sbr.rel .LBB2_13-.Ltmp14, $2  }
0x180: {  	_ =	sdelay $0x2  }
0x181: {  	s22 =	simm.s32 $0x780  }
.LBB2_7:
.Ltmp15:
0x182: {  	(pc) =	sbr.rel .LBB2_13-.Ltmp15, $2  }
0x183: {  	_ =	sdelay $0x2  }
0x184: {  	s22 =	simm.s32 $0x780  }
.LBB2_9:
.Ltmp16:
0x185: {  	(pc) =	sbr.rel .LBB2_13-.Ltmp16, $2  }
0x186: {  	_ =	sdelay $0x2  }
0x187: {  	vm2 =	vmmov vm0;
	v6 =	vmov v3;
	vm3 =	vmmov vm1;
	s22 =	simm.s32 $0x780  }
.LBB2_11:
.Ltmp17:
0x188: {  	(pc) =	sbr.rel .LBB2_13-.Ltmp17, $2  }
0x189: {  	_ =	sdelay $0x2  }
0x18a: {  	s22 =	simm.s32 $0x780  }
.LBB2_23:
0x18b: {  	_ =	sfence.sel $0x180000  }
0x18c: {  	[bflag:$0x0] =	sbarrier.arrive $0xFFFF  }
0x18d: {  	p0 =	sne.s32 s1, $0x0;
	_ =	strace $0x90000047  }
0x18e: {  	s0 =	sadd.s32 @!p0 $0x100000, s0;
	[bflag:$0x2] =	sbarrier.arrive $0xFFFF  }
0x18f: {  	[sflag:s0] =	ssyncadd.tile.s32 @!p0 $0x1;
	_ =	shalt  }
.Lfunc_end2:
_tile_overlayer_lowered:
.L_overlay_start_2:
0x190: {  	(tag) =	ssettag $0x2  }
0x191: {  	s0 =	rddreg [dreg:$0x0];
	s2 =	stileid.u32  }
0x192: {  	s1 =	rddreg [dreg:$0x1];
	p0 =	sne.s32 s2, $0x0  }
0x193: {  	s3 =	rddreg [dreg:$0x2];
	[bflag:$0x3] =	sbarrier.arrive $0xFFFF;
	s2 =	simm.s32 @!p0 $0x1C01  }
0x194: {  	[timem:s3], [sflag:s2] =	dma.local @!p0 [hbm:s0], s1  }
0x195: {  	s0 =	simm.s32 @!p0 $0x1  }
0x196: {  	_ =	swait.ge @!p0 [sflag:s0], s1  }
0x197: {  	s1 =	ssub.s32 @!p0 $0x0, s1;
	[sflag:s0] =	ssyncset.done @!p0 $0x0  }
0x198: {  	[sflag:s0] =	ssyncadd.s32 @!p0 s1  }
0x199: {  	[bflag:$0x3] =	sbarrier.arrive $0xFFFF  }
0x19a: {  	_ =	shalt  }

// kernel: kernel.8.cloned.1.call-start
scs
__scs_entry_jumppad:
0x0: {  	(pc) =	sbr.rel $0x88, $3  }
0x1: {  	(tag) =	ssettag $0x0;
	lr =	simm.s32 $0x1  }
0x2: {  	[smem:$0x3F9E] =	sst lr;
	_ =	strace $0xD0000000  }
0x3: {  	_ = 	snop  }
0x4: {  	_ = 	snop  }
0x5: {  	_ = 	snop  }
0x6: {  	_ = 	snop  }
0x7: {  	_ = 	snop  }
__scs_overlays_trampoline_lowered:
0x8: {  	[smem:$0x3FAD] =	sst s0  }
0x9: {  	[smem:$0x3FAE] =	sst s1  }
0xa: {  	[smem:$0x3FAF] =	sst s2  }
0xb: {  	[smem:$0x3FB0] =	sst s3  }
0xc: {  	[smem:$0x3FB1] =	sst s4  }
0xd: {  	[smem:$0x3FB2] =	sst s5  }
0xe: {  	[smem:$0x3FB3] =	sst s6  }
0xf: {  	[smem:$0x3FB4] =	sst s7  }
0x10: {  	[smem:$0x3FB5] =	sst s8  }
0x11: {  	[smem:$0x3FB6] =	sst s9;
	s0 =	simm.s32 @!p0 $0x0  }
0x12: {  	s1 =	sld [smem:$0x3F9C];
	s0 =	simm.s32 @p0 $0x1  }
0x13: {  	[smem:$0x3FB7] =	sst s0;
	s0 =	simm.s32 @!p1 $0x0  }
0x14: {  	s2 =	sld [smem:$0x3F9B];
	s0 =	simm.s32 @p1 $0x1  }
0x15: {  	[smem:$0x3FB8] =	sst s0;
	s0 =	simm.s32 @!p2 $0x0  }
0x16: {  	s3 =	sld [smem:$0x3FDB];
	s0 =	simm.s32 @p2 $0x1  }
0x17: {  	s4 =	simm.s32 $0x1BF5;
	[smem:$0x3FBA] =	sst s0  }
0x18: {  	s0 =	sld [smem:$0x3F9D];
	_ =	swait.ge [sflag:s4], $0x0  }
0x19: {  	s7 =	sld [smem:$0x3F9E]  }
0x1a: {  	s8 =	sadd.s32 $0xFFFFE003, lr  }
0x1b: {  	s9 =	sadd.s32 $0xFFFFFEF7, lr;
	s5 =	simm.s32 $0xFFFFFFFF;
	p2 =	slt.u32 s8, $0xFFFFF086  }
0x1c: {  	p1 =	slt.u32 s9, $0xF7A;
	s5 =	simm.s32 @!p2 $0x0  }
0x1d: {  	s5 =	simm.s32 @p1 $0x1;
	p0 =	seq.s32 s7, s2  }
0x1e: {  	s7 =	smul.u32 @!p0 $0xF7A, s2;
	p2 =	seq.s32 @!p0 s5, $0x0  }
0x1f: {  	s9 =	smul.u32 $0xF7A, s1;
	s8 =	simm.s32 @!p0 $0x1BF5;
	p2 =	por !p2, p0  }
0x20: {  	[sflag:s8] =	ssyncset.s32 @!p0 $0xFFFFF086;
	s6 =	sadd.s32 @!p0 s3, s7;
	s7 =	simm.s32 @!p0 $0x108  }
0x21: {  	s3 =	sadd.s32 s3, s9;
	s6 =	sadd.s32 @!p0 $0x88, s6;
	s7 =	simm.s32 @p2 $0x1082  }
0x22: {  	[simem:s7], [sflag:s8] =	dma.local @!p0 [hbm:s6], $0xF7A  }
0x23: {  	s9 =	sor.u32 $0xD0000000, s2;
	s6 =	simm.s32 $0x108;
	_ =	swait.ge @!p0 [sflag:s8], $0x0  }
0x24: {  	s3 =	sadd.s32 $0x88, s3;
	s6 =	simm.s32 @!p1 $0x1082;
	[sflag:s4] =	ssyncset.s32 $0xFFFFF086  }
0x25: {  	[simem:s6], [sflag:s4] =	dma.local [hbm:s3], $0xF7A  }
0x26: {  	[smem:$0x3F9E] =	sst s1;
	(tag) =	ssettag s2;
	_ =	strace s9  }
0x27: {  	s1 =	sld [smem:$0x3FAE]  }
0x28: {  	s2 =	sld [smem:$0x3FAF]  }
0x29: {  	s4 =	sld [smem:$0x3FB1]  }
0x2a: {  	p0 =	seq.s32 s5, $0x0;
	s5 =	sld [smem:$0x3FB2]  }
0x2b: {  	s6 =	sld [smem:$0x3FB3]  }
0x2c: {  	s7 =	sld [smem:$0x3FB4]  }
0x2d: {  	s3 =	simm.s32 $0x108;
	s8 =	sld [smem:$0x3FB5]  }
0x2e: {  	s3 =	simm.s32 @!p0 $0x1082;
	s9 =	sld [smem:$0x3FB6]  }
0x2f: {  	lr =	sadd.s32 s0, s3;
	s0 =	sld [smem:$0x3FAD]  }
0x30: {  	s3 =	sld [smem:$0x3FB0]  }
0x31: {  	[smem:$0x3FB9] =	sst s10  }
0x32: {  	s10 =	sld [smem:$0x3FB7];
	_ =	sdelay $0x3  }
0x33: {  	p0 =	seq.s32 s10, $0x1;
	s10 =	sld [smem:$0x3FB9];
	_ =	sdelay $0x3  }
0x34: {  	[smem:$0x3FB9] =	sst s10  }
0x35: {  	s10 =	sld [smem:$0x3FB8];
	_ =	sdelay $0x3  }
0x36: {  	p1 =	seq.s32 s10, $0x1;
	s10 =	sld [smem:$0x3FB9];
	_ =	sdelay $0x3  }
0x37: {  	[smem:$0x3FB9] =	sst s10  }
0x38: {  	s10 =	sld [smem:$0x3FBA]  }
0x39: {  	_ = 	snop;
	(pc) =	sbr.ind lr, $3  }
0x3a: {  	_ = 	snop  }
0x3b: {  	_ = 	snop  }
0x3c: {  	p2 =	seq.s32 s10, $0x1;
	s10 =	sld [smem:$0x3FB9]  }
0x3d: {  	_ =	shalt  }
0x3e: {  	_ =	shalt  }
0x3f: {  	_ =	shalt  }
0x40: {  	_ =	shalt  }
0x41: {  	_ =	shalt  }
0x42: {  	_ =	shalt  }
0x43: {  	_ =	shalt  }
0x44: {  	_ =	shalt  }
0x45: {  	_ =	shalt  }
0x46: {  	_ =	shalt  }
0x47: {  	_ =	shalt  }
0x48: {  	_ =	shalt  }
0x49: {  	_ =	shalt  }
0x4a: {  	_ =	shalt  }
0x4b: {  	_ =	shalt  }
0x4c: {  	_ =	shalt  }
0x4d: {  	_ =	shalt  }
0x4e: {  	_ =	shalt  }
0x4f: {  	_ =	shalt  }
0x50: {  	_ =	shalt  }
0x51: {  	_ =	shalt  }
0x52: {  	_ =	shalt  }
0x53: {  	_ =	shalt  }
0x54: {  	_ =	shalt  }
0x55: {  	_ =	shalt  }
0x56: {  	_ =	shalt  }
0x57: {  	_ =	shalt  }
0x58: {  	_ =	shalt  }
0x59: {  	_ =	shalt  }
0x5a: {  	_ =	shalt  }
0x5b: {  	_ =	shalt  }
0x5c: {  	_ =	shalt  }
0x5d: {  	_ =	shalt  }
0x5e: {  	_ =	shalt  }
0x5f: {  	_ =	shalt  }
0x60: {  	_ =	shalt  }
0x61: {  	_ =	shalt  }
0x62: {  	_ =	shalt  }
0x63: {  	_ =	shalt  }
0x64: {  	_ =	shalt  }
0x65: {  	_ =	shalt  }
0x66: {  	_ =	shalt  }
0x67: {  	_ =	shalt  }
0x68: {  	_ =	shalt  }
0x69: {  	_ =	shalt  }
0x6a: {  	_ =	shalt  }
0x6b: {  	_ =	shalt  }
0x6c: {  	_ =	shalt  }
0x6d: {  	_ =	shalt  }
0x6e: {  	_ =	shalt  }
0x6f: {  	_ =	shalt  }
0x70: {  	_ =	shalt  }
0x71: {  	_ =	shalt  }
0x72: {  	_ =	shalt  }
0x73: {  	_ =	shalt  }
0x74: {  	_ =	shalt  }
0x75: {  	_ =	shalt  }
0x76: {  	_ =	shalt  }
0x77: {  	_ =	shalt  }
0x78: {  	_ =	shalt  }
0x79: {  	_ =	shalt  }
0x7a: {  	_ =	shalt  }
0x7b: {  	_ =	shalt  }
0x7c: {  	_ =	shalt  }
0x7d: {  	_ =	shalt  }
0x7e: {  	_ =	shalt  }
0x7f: {  	_ =	shalt  }
0x80: {  	_ =	shalt  }
0x81: {  	_ =	shalt  }
0x82: {  	_ =	shalt  }
0x83: {  	_ =	shalt  }
0x84: {  	_ =	shalt  }
0x85: {  	_ =	shalt  }
0x86: {  	_ =	shalt  }
0x87: {  	_ =	shalt  }
.Lfunc_end0:
.L_simem_size_0:
called_computation.2_lowered:
.L_overlay_start_0:
0x88: {  	s2 =	sld [smem:$0x3FD9]  }
0x89: {  	s3 =	sld [smem:$0x3FFE];
	_ =	sdelay $0x1  }
0x8a: {  	s1 =	srdreg.scid  }
0x8b: {  	s0 =	sand.u32 $0x1, s1  }
0x8c: {  	s17 =	sshll.u32 s0, $0xA;
	s2 =	sadd.s32 s3, s2  }
0x8d: {  	s2 =	sadd.s32 s2, s17  }
0x8e: {  	[smem:$0x3FC5] =	sst s2  }
0x8f: {  	_ = 	snop  }
0x90: {  	s2 =	sld [smem:$0x3FD0];
	(tm) =	ssettm $0x1  }
0x91: {  	s18 =	sld [smem:$0x3FFB];
	_ =	sdelay $0x3  }
0x92: {  	_ =	strace s18  }
0x93: {  	s3 =	sld [smem:$0x3FFC];
	_ =	sdelay $0x3  }
0x94: {  	_ =	strace s3  }
0x95: {  	s3 =	sld [smem:$0x3FFD];
	_ =	sdelay $0x3  }
0x96: {  	_ =	strace s3  }
0x97: {  	_ =	strace $0x8FFFFFFF  }
0x98: {  	s19 =	sld [smem:$0x3FDB];
	_ =	sdelay $0x1  }
0x99: {  	s4 =	simm.s32 $_scs_section_size  }
0x9a: {  	s5 =	simm.s32 $_size__tile_overlayer_lowered;
	s6 =	simm.s32 $_tile_overlayer_lowered  }
0x9b: {  	s22 =	simm.s32 $0x1BFF;
	s21 =	sshll.u32 s6, $0x1;
	s3 =	sadd.s32 s4, s19  }
0x9c: {  	s7 =	simm.s32 $0x0;
	s20 =	sshll.u32 s5, $0x1;
	s5 =	sadd.s32 s21, s3  }
0x9d: {  	[timem:s7], [sflag:s22] =	dma.local [hbm:s5], s20  }
0x9e: {  	_ =	swait.ge [sflag:s22], s20  }
0x9f: {  	s4 =	ssub.s32 $0x0, s20;
	[sflag:s22] =	ssyncset.done $0x0  }
0xa0: {  	[sflag:s22] =	ssyncadd.s32 s4;
	_ =	sdelay $0x1  }
0xa1: {  	s23 =	simm.s32 $0x1B8B  }
0xa2: {  	_ =	swait.ge [sflag:s23], $0x1  }
0xa3: {  	[sflag:s23] =	ssyncset.done $0x0  }
0xa4: {  	s25 =	simm.s32 $0x1B8E;
	s24 =	sld [smem:$0x3FFE];
	[sflag:s23] =	ssyncadd.s32 $0xFFFFFFFF  }
0xa5: {  	s26 =	simm.s32 $execute0_lowered;
	[smem:$0x3FD2] =	sst s25  }
0xa6: {  	s5 =	sshll.u32 s26, $0x1;
	_ =	strace $0x80000049;
	[dreg:$0x1] =	wrdreg $0xFFFFFFFF  }
0xa7: {  	s28 =	simm.s32 $_size_execute0_lowered;
	s3 =	sadd.s32 s3, s5;
	[dreg:$0x0] =	wrdreg $0x0  }
0xa8: {  	s5 =	sshll.u32 s28, $0x1;
	[dreg:$0x2] =	wrdreg s3  }
0xa9: {  	[dreg:$0x3] =	wrdreg s5  }
0xaa: {  	[dreg:$0x4] =	wrdreg $0xC0  }
0xab: {  	_ =	task [dreg:s7], $0x5FFFF  }
0xac: {  	[dreg:$0x1] =	wrdreg $0xFFFFFFFF  }
0xad: {  	[dreg:$0x0] =	wrdreg $0x60  }
0xae: {  	[dreg:$0x2] =	wrdreg s24  }
0xaf: {  	[dreg:$0x3] =	wrdreg s2  }
0xb0: {  	[dreg:$0x4] =	wrdreg $0x73000  }
0xb1: {  	[dreg:$0x5] =	wrdreg $0x9  }
0xb2: {  	_ =	task.clear_ibuf [dreg:s7], $0x6FFFF;
	_ =	strace $0x90000049  }
0xb3: {  	s29 =	simm.s32 $0x9;
	_ =	strace $0x8000004B  }
0xb4: {  	_ =	swait.ge [sflag:s29], $0x1  }
0xb5: {  	[sflag:s29] =	ssyncadd.s32 $0xFFFFFFFF  }
0xb6: {  	_ =	strace $0x9000004B  }
0xb7: {  	_ =	sfence  }
0xb8: {  	s30 =	sld [smem:$0x0];
	_ =	sdelay $0x2  }
0xb9: {  	s31 =	sshll.u32 s1, $0xD;
	s1 =	sshrl.u32 s1, $0x2  }
0xba: {  	s3 =	sand.u32 $0x4000, s31;
	s1 =	sadd.s32 s1, s30  }
0xbb: {  	s0 =	sor.u32 s3, s0;
	s1 =	sshll.u32 s1, $0x11  }
0xbc: {  	s0 =	sor.u32 s1, s0  }
0xbd: {  	s0 =	sadd.s32 $0x8F2B, s0  }
0xbe: {  	[sflag:s0] =	ssyncadd.remote.s32 $0x1  }
0xbf: {  	_ =	sfence.sel $0xFFFF  }
0xc0: {  	[dreg:$0x0] =	wrdreg $0xFFFFFFFF;
	(pc) =	sbr.abs _section_cstart, $3  }
0xc1: {  	[dreg:$0x1] =	wrdreg $0xFFFFFFFF  }
0xc2: {  	_ =	task.clear_ibuf [dreg:s7], $0x2FFFF;
	_ =	strace $0x9FFFFFFF  }
0xc3: {  	(tm) =	ssettm $0x7FFFFFFF  }
tec
execute0_lowered:
.L_overlay_start_1:
0x0: {  	(tag) =	ssettag $0x1  }
0x1: {  	s0 =	rddreg [dreg:$0x0]  }
0x2: {  	s3 =	rddreg [dreg:$0x1]  }
0x3: {  	s1 =	rddreg [dreg:$0x2];
	s2 =	simm.s32 $0x0;
	s4 =	srdreg.scid  }
0x4: {  	s10 =	stileid.u32;
	s14 =	simm.s32 $0x2;
	s15 =	simm.s32 $0x7280  }
0x5: {  	s16 =	simm.s32 $0x80;
	s17 =	simm.s32 $0x280;
	s18 =	simm.s32 $0x1280  }
0x6: {  	s19 =	simm.s32 $0x100;
	s20 =	simm.s32 $0x2280;
	s21 =	simm.s32 $0x180  }
0x7: {  	s22 =	simm.s32 $0x3280;
	s23 =	simm.s32 $0x200;
	s24 =	simm.s32 $0x4280  }
0x8: {  	s25 =	simm.s32 $0x1;
	s26 =	simm.s32 $0x5280;
	s28 =	simm.s32 $0x0  }
0x9: {  	[smem:$0x7FF] =	sst s2;
	s11 =	sand.u32 $0x1, s4;
	s4 =	sadd.s32 $0x9200, s0  }
0xa: {  	s9 =	smul.u32 $0x30D80, s10;
	s5 =	sadd.s32 $0x47A00, s0;
	s8 =	ssub.s32 $0x2, s11  }
0xb: {  	s6 =	sadd.s32 $0x4DE00, s0;
	s7 =	smul.u32 $0x30D800, s11;
	s29 =	sshrl.u32 s8, $0x1  }
0xc: {  	s31 =	sshll.u32 s10, $0x6;
	_ =	strace $0x8000004A;
	s0 =	ssub.s32 s8, s29  }
0xd: {  	v0 =	vlaneseq.u32;
	s30 =	sadd.s32 s9, s7;
	s9 =	sshrl.u32 s9, $0x1;
	s7 =	smul.u32 $0x3200, s10  }
0xe: {  	v0 =	vmul.u32 $0x2, v0;
	s13 =	sadd.s32 s9, s1;
	s8 =	sshrl.u32 s30, $0x4;
	s9 =	smul.u32 $0xFA000, s11  }
0xf: {  	s10 =	sor.u32 $0x1C02, s31;
	s11 =	smul.u32 $0xC80000, s11;
	s3 =	sadd.s32 s3, s8  }
0x10: {  	v1 =	vor.u32 $0x1, v0;
	v2 =	vor.u32 $0x20, v0;
	v3 =	vor.u32 $0x21, v0;
	s12 =	smax.u32 s0, $0x1;
	s13 =	sshrl.u32 s13, $0x3;
	[dreg:$0x4] =	wrdreg s3  }
.LBB2_1:
0x11: {  	s0 =	rddreg [dreg:$0x4]  }
0x12: {  	[spmem:s13], [sflag:s10] =	dma.local [hbm:s0], $0x30D8  }
0x13: {  	_ =	swait.ge [sflag:s14], $0x30D8  }
0x14: {  	[sflag:s14] =	ssyncset.done $0x0  }
0x15: {  	[sflag:s14] =	ssyncadd.s32 $0xFFFFCF28  }
0x16: {  	s29 =	simm.s32 $0x0;
	[bflag:$0x0] =	sbarrier.arrive $0xFFFF  }
.LBB2_2:
0x17: {  	s0 =	sshll.u32 s29, $0x7  }
0x18: {  	s30 =	sadd.s32 s7, s0  }
0x19: {  	s0 =	sshrl.u32 s30, $0x7  }
0x1a: {  	s0 =	smul.u32 $0x280, s0;
	_ =	sdelay $0x1  }
0x1b: {  	s0 =	sadd.s32 s9, s0  }
0x1c: {  	s0 =	sshrl.u32 s0, $0x3  }
0x1d: {  	s3 =	simm.s32 $0x0;
	s0 =	sadd.s32 s4, s0  }
0x1e: {  	[tilespmem:s3], [sflag:$0x2] =	stream.linear.gather [hbm4b:s0+s3], $0x280, $0x38;
	[tilespmem:$0x1F9C0] =	vst v63  }
0x1f: {  	_ =	swait.ge [sflag:s14], $0x280  }
0x20: {  	s8 =	sshrl.u32 s30, $0x3;
	[sflag:s14] =	ssyncset.done $0x0  }
0x21: {  	s0 =	sadd.s32 s5, s8;
	[sflag:s14] =	ssyncadd.s32 $0xFFFFFD80  }
0x22: {  	[tilespmem:s15], [sflag:$0x2] =	stream.linear.gather [hbm4b:s0+s3], $0x80, $0x38;
	[tilespmem:$0x1F9C0] =	vst v63  }
0x23: {  	_ =	swait.ge [sflag:s14], $0x80  }
0x24: {  	[sflag:s14] =	ssyncset.done $0x0  }
0x25: {  	[sflag:s14] =	ssyncadd.s32 $0xFFFFFF80  }
0x26: {  	[tilespmem:s17], [sflag:$0x1] =	stream.indirect.gather [spmem:s1], $0x20, s3, s16, $0xb8;
	[tilespmem:$0x1F9C0] =	vst v63  }
0x27: {  	_ = 	snop  }
0x28: {  	[tilespmem:s18], [sflag:$0x1] =	stream.indirect.gather [spmem:s1], $0x20, s16, s16, $0xb8;
	[tilespmem:$0x1F9C0] =	vst v63  }
0x29: {  	_ = 	snop  }
0x2a: {  	[tilespmem:s20], [sflag:$0x1] =	stream.indirect.gather [spmem:s1], $0x20, s19, s16, $0xb8;
	[tilespmem:$0x1F9C0] =	vst v63  }
0x2b: {  	_ = 	snop  }
0x2c: {  	[tilespmem:s22], [sflag:$0x1] =	stream.indirect.gather [spmem:s1], $0x20, s21, s16, $0xb8;
	[tilespmem:$0x1F9C0] =	vst v63  }
0x2d: {  	_ = 	snop  }
0x2e: {  	[tilespmem:s24], [sflag:$0x1] =	stream.indirect.gather [spmem:s1], $0x20, s23, s16, $0xb8;
	[tilespmem:$0x1F9C0] =	vst v63  }
0x2f: {  	_ =	swait.ge [sflag:s25], $0x1000  }
0x30: {  	[sflag:s25] =	ssyncset.done $0x0  }
0x31: {  	[sflag:s25] =	ssyncadd.s32 $0xFFFFF000  }
0x32: {  	_ =	swait.ge [sflag:s25], $0x1000  }
0x33: {  	[sflag:s25] =	ssyncset.done $0x0  }
0x34: {  	[sflag:s25] =	ssyncadd.s32 $0xFFFFF000  }
0x35: {  	_ =	swait.ge [sflag:s25], $0x1000  }
0x36: {  	[sflag:s25] =	ssyncset.done $0x0  }
0x37: {  	[sflag:s25] =	ssyncadd.s32 $0xFFFFF000  }
0x38: {  	_ =	swait.ge [sflag:s25], $0x1000  }
0x39: {  	[sflag:s25] =	ssyncset.done $0x0  }
0x3a: {  	[sflag:s25] =	ssyncadd.s32 $0xFFFFF000  }
0x3b: {  	_ =	swait.ge [sflag:s25], $0x1000  }
0x3c: {  	[sflag:s25] =	ssyncset.done $0x0  }
0x3d: {  	s31 =	simm.s32 $0x3C0;
	[sflag:s25] =	ssyncadd.s32 $0xFFFFF000  }
0x3e: {  	v4 =	vld [tilespmem:s31+$0xFFFFFEC0]  }
0x3f: {  	v5 =	vld [tilespmem:s31+$0xFFFFFEE0];
	_ =	sdelay $0x1  }
0x40: {  	v6 =	vld [tilespmem:s31+$0xFFFFFF00];
	_ =	sdelay $0x1  }
0x41: {  	v7 =	vmov s3;
	v8 =	vld [tilespmem:s31+$0xFFFFFF20]  }
0x42: {  	v4 =	vadd.bf16 v5, v4  }
0x43: {  	v5 =	vld [tilespmem:s31+$0xFFFFFF40]  }
0x44: {  	v4 =	vadd.bf16 v6, v4;
	_ =	sdelay $0x1  }
0x45: {  	v6 =	vld.idx.msk [tilespmem:v7+s15+$0x0], $0xffff;
	v4 =	vadd.bf16 v8, v4  }
0x46: {  	v7 =	vshll.u32 v7, $0x6  }
0x47: {  	v4 =	vadd.bf16 v5, v4;
	v5 =	vor.u32 v0, v7  }
0x48: {  	v8 =	vor.u32 v1, v7  }
0x49: {  	v9 =	vshll.u32 v4, $0x10  }
0x4a: {  	v4 =	vand.u32 $0xFFFF0000, v4;
	v9 =	vmul.f32 v9, v6  }
0x4b: {  	v4 =	vmul.f32 v4, v6  }
0x4c: {  	[tilespmem:v5+s26+$0x0] =	vst.idx.msk $0xffff, v9  }
0x4d: {  	[tilespmem:v8+s26+$0x0] =	vst.idx.msk $0xffff, v4  }
0x4e: {  	v4 =	vld [tilespmem:s31+$0xFFFFFED0]  }
0x4f: {  	v5 =	vld [tilespmem:s31+$0xFFFFFEF0];
	_ =	sdelay $0x1  }
0x50: {  	v8 =	vld [tilespmem:s31+$0xFFFFFF10];
	_ =	sdelay $0x1  }
0x51: {  	v9 =	vld [tilespmem:s31+$0xFFFFFF30]  }
0x52: {  	v4 =	vadd.bf16 v5, v4  }
0x53: {  	v5 =	vld [tilespmem:s31+$0xFFFFFF50]  }
0x54: {  	v4 =	vadd.bf16 v8, v4;
	_ =	sdelay $0x1  }
0x55: {  	v4 =	vadd.bf16 v9, v4;
	_ =	sdelay $0x1  }
0x56: {  	v4 =	vadd.bf16 v5, v4;
	v5 =	vor.u32 v2, v7  }
0x57: {  	v7 =	vor.u32 v3, v7  }
0x58: {  	v8 =	vshll.u32 v4, $0x10  }
0x59: {  	v4 =	vand.u32 $0xFFFF0000, v4;
	v8 =	vmul.f32 v8, v6  }
0x5a: {  	v4 =	vmul.f32 v4, v6  }
0x5b: {  	[tilespmem:v5+s26+$0x0] =	vst.idx.msk $0xffff, v8  }
0x5c: {  	[tilespmem:v7+s26+$0x0] =	vst.idx.msk $0xffff, v4  }
0x5d: {  	v4 =	vld [tilespmem:s31+$0xFFFFFF60]  }
0x5e: {  	v5 =	vld [tilespmem:s31+$0xFFFFFF80];
	_ =	sdelay $0x1  }
0x5f: {  	v6 =	vld [tilespmem:s31+$0xFFFFFFA0]  }
0x60: {  	s8 =	simm.s32 $0x1  }
0x61: {  	v7 =	vmov s8;
	v8 =	vld [tilespmem:s31+$0xFFFFFFC0]  }
0x62: {  	v4 =	vadd.bf16 v5, v4  }
0x63: {  	v5 =	vld [tilespmem:s31+$0xFFFFFFE0]  }
0x64: {  	v4 =	vadd.bf16 v6, v4;
	_ =	sdelay $0x1  }
0x65: {  	v6 =	vld.idx.msk [tilespmem:v7+s15+$0x0], $0xffff;
	v4 =	vadd.bf16 v8, v4  }
0x66: {  	v7 =	vshll.u32 v7, $0x6  }
0x67: {  	v4 =	vadd.bf16 v5, v4;
	v5 =	vor.u32 v0, v7  }
0x68: {  	v8 =	vor.u32 v1, v7  }
0x69: {  	v9 =	vshll.u32 v4, $0x10  }
0x6a: {  	v4 =	vand.u32 $0xFFFF0000, v4;
	v9 =	vmul.f32 v9, v6  }
0x6b: {  	v4 =	vmul.f32 v4, v6  }
0x6c: {  	[tilespmem:v5+s26+$0x0] =	vst.idx.msk $0xffff, v9  }
0x6d: {  	[tilespmem:v8+s26+$0x0] =	vst.idx.msk $0xffff, v4  }
0x6e: {  	v4 =	vld [tilespmem:s31+$0xFFFFFF70]  }
0x6f: {  	v5 =	vld [tilespmem:s31+$0xFFFFFF90];
	_ =	sdelay $0x1  }
0x70: {  	v8 =	vld [tilespmem:s31+$0xFFFFFFB0];
	_ =	sdelay $0x1  }
0x71: {  	v9 =	vld [tilespmem:s31+$0xFFFFFFD0]  }
0x72: {  	v4 =	vadd.bf16 v5, v4  }
0x73: {  	v5 =	vld [tilespmem:s31+$0xFFFFFFF0]  }
0x74: {  	v4 =	vadd.bf16 v8, v4;
	_ =	sdelay $0x1  }
0x75: {  	v4 =	vadd.bf16 v9, v4;
	_ =	sdelay $0x1  }
0x76: {  	v4 =	vadd.bf16 v5, v4;
	v5 =	vor.u32 v2, v7  }
0x77: {  	v7 =	vor.u32 v3, v7  }
0x78: {  	v8 =	vshll.u32 v4, $0x10  }
0x79: {  	v4 =	vand.u32 $0xFFFF0000, v4;
	v8 =	vmul.f32 v8, v6  }
0x7a: {  	v4 =	vmul.f32 v4, v6  }
0x7b: {  	[tilespmem:v5+s26+$0x0] =	vst.idx.msk $0xffff, v8  }
0x7c: {  	[tilespmem:v7+s26+$0x0] =	vst.idx.msk $0xffff, v4  }
0x7d: {  	v4 =	vld [tilespmem:s31+$0x0]  }
0x7e: {  	v5 =	vld [tilespmem:s31+$0x20];
	_ =	sdelay $0x1  }
0x7f: {  	v6 =	vld [tilespmem:s31+$0x40]  }
0x80: {  	s3 =	simm.s32 $0x2  }
0x81: {  	v7 =	vmov s3;
	v8 =	vld [tilespmem:s31+$0x60]  }
0x82: {  	v4 =	vadd.bf16 v5, v4  }
0x83: {  	v5 =	vld [tilespmem:s31+$0x80]  }
0x84: {  	v4 =	vadd.bf16 v6, v4;
	_ =	sdelay $0x1  }
0x85: {  	v6 =	vld.idx.msk [tilespmem:v7+s15+$0x0], $0xffff;
	v4 =	vadd.bf16 v8, v4  }
0x86: {  	v7 =	vshll.u32 v7, $0x6  }
0x87: {  	v4 =	vadd.bf16 v5, v4;
	v5 =	vor.u32 v0, v7  }
0x88: {  	v8 =	vor.u32 v1, v7  }
0x89: {  	v9 =	vshll.u32 v4, $0x10  }
0x8a: {  	v4 =	vand.u32 $0xFFFF0000, v4;
	v9 =	vmul.f32 v9, v6  }
0x8b: {  	v4 =	vmul.f32 v4, v6  }
0x8c: {  	[tilespmem:v5+s26+$0x0] =	vst.idx.msk $0xffff, v9  }
0x8d: {  	[tilespmem:v8+s26+$0x0] =	vst.idx.msk $0xffff, v4  }
0x8e: {  	v4 =	vld [tilespmem:s31+$0x10]  }
0x8f: {  	v5 =	vld [tilespmem:s31+$0x30];
	_ =	sdelay $0x1  }
0x90: {  	v8 =	vld [tilespmem:s31+$0x50];
	_ =	sdelay $0x1  }
0x91: {  	v9 =	vld [tilespmem:s31+$0x70]  }
0x92: {  	v4 =	vadd.bf16 v5, v4  }
0x93: {  	v5 =	vld [tilespmem:s31+$0x90]  }
0x94: {  	v4 =	vadd.bf16 v8, v4;
	_ =	sdelay $0x1  }
0x95: {  	v4 =	vadd.bf16 v9, v4;
	_ =	sdelay $0x1  }
0x96: {  	v4 =	vadd.bf16 v5, v4;
	v5 =	vor.u32 v2, v7  }
0x97: {  	v7 =	vor.u32 v3, v7  }
0x98: {  	v8 =	vshll.u32 v4, $0x10  }
0x99: {  	v4 =	vand.u32 $0xFFFF0000, v4;
	v8 =	vmul.f32 v8, v6  }
0x9a: {  	v4 =	vmul.f32 v4, v6  }
0x9b: {  	[tilespmem:v5+s26+$0x0] =	vst.idx.msk $0xffff, v8  }
0x9c: {  	[tilespmem:v7+s26+$0x0] =	vst.idx.msk $0xffff, v4  }
0x9d: {  	v4 =	vld [tilespmem:s31+$0xA0]  }
0x9e: {  	v5 =	vld [tilespmem:s31+$0xC0];
	_ =	sdelay $0x1  }
0x9f: {  	v6 =	vld [tilespmem:s31+$0xE0]  }
0xa0: {  	s8 =	simm.s32 $0x3  }
0xa1: {  	v7 =	vmov s8;
	v8 =	vld [tilespmem:s31+$0x100]  }
0xa2: {  	v4 =	vadd.bf16 v5, v4  }
0xa3: {  	v9 =	vld [tilespmem:s31+$0x120]  }
0xa4: {  	v5 =	vadd.bf16 v6, v4;
	_ =	sdelay $0x1  }
0xa5: {  	v4 =	vld.idx.msk [tilespmem:v7+s15+$0x0], $0xffff;
	v6 =	vadd.bf16 v8, v5  }
0xa6: {  	v5 =	vshll.u32 v7, $0x6  }
0xa7: {  	v7 =	vor.u32 v0, v5;
	v6 =	vadd.bf16 v9, v6  }
0xa8: {  	v8 =	vor.u32 v1, v5  }
0xa9: {  	v9 =	vshll.u32 v6, $0x10  }
0xaa: {  	v6 =	vand.u32 $0xFFFF0000, v6;
	v9 =	vmul.f32 v9, v4  }
0xab: {  	v6 =	vmul.f32 v6, v4  }
0xac: {  	[tilespmem:v7+s26+$0x0] =	vst.idx.msk $0xffff, v9  }
0xad: {  	[tilespmem:v8+s26+$0x0] =	vst.idx.msk $0xffff, v6  }
0xae: {  	v6 =	vld [tilespmem:s31+$0xB0]  }
0xaf: {  	v7 =	vld [tilespmem:s31+$0xD0];
	_ =	sdelay $0x2  }
0xb0: {  	v8 =	vld [tilespmem:s31+$0xF0];
	_ =	sdelay $0x1  }
0xb1: {  	v9 =	vadd.bf16 v7, v6;
	v7 =	vld [tilespmem:s31+$0x110];
	_ =	sdelay $0x1  }
0xb2: {  	v6 =	vld [tilespmem:s31+$0x130]  }
0xb3: {  	s0 =	simm.s32 $0x4;
	v8 =	vadd.bf16 v8, v9  }
.LBB2_3:
0xb4: {  	p0 =	slt.u32 s0, $0x7C  }
0xb5: {  	s31 =	sadd.s32 $0x280, s31;
	s3 =	smov.u32 s0;
	s0 =	sadd.s32 $0x4, s0;
	v7 =	vadd.bf16 v7, v8  }
0xb6: {  	v8 =	vor.u32 v2, v5  }
0xb7: {  	v5 =	vor.u32 v3, v5;
	v6 =	vadd.bf16 v6, v7;
	_ =	sdelay $0x1  }
0xb8: {  	v7 =	vshll.u32 v6, $0x10;
	v6 =	vand.u32 $0xFFFF0000, v6  }
0xb9: {  	v7 =	vmul.f32 v7, v4;
	v4 =	vmul.f32 v6, v4;
	_ =	sdelay $0x1  }
0xba: {  	[tilespmem:v8+s26+$0x0] =	vst.idx.msk $0xffff, v7  }
0xbb: {  	[tilespmem:v5+s26+$0x0] =	vst.idx.msk $0xffff, v4  }
0xbc: {  	v4 =	vld [tilespmem:s31+$0xFFFFFEC0]  }
0xbd: {  	v5 =	vld [tilespmem:s31+$0xFFFFFEE0]  }
0xbe: {  	v6 =	vld [tilespmem:s31+$0xFFFFFF00];
	_ =	sdelay $0x1  }
0xbf: {  	v7 =	vmov s3  }
0xc0: {  	v9 =	vshll.u32 v7, $0x6;
	v8 =	vld [tilespmem:s31+$0xFFFFFF20]  }
0xc1: {  	v4 =	vadd.bf16 v5, v4  }
0xc2: {  	v5 =	vld [tilespmem:s31+$0xFFFFFF40]  }
0xc3: {  	v4 =	vadd.bf16 v6, v4  }
0xc4: {  	v6 =	vld.idx.msk [tilespmem:v7+s15+$0x0], $0xffff  }
0xc5: {  	v4 =	vadd.bf16 v8, v4;
	_ =	sdelay $0x1  }
0xc6: {  	v4 =	vadd.bf16 v5, v4;
	v5 =	vor.u32 v0, v9  }
0xc7: {  	v7 =	vor.u32 v1, v9  }
0xc8: {  	v8 =	vshll.u32 v4, $0x10;
	v4 =	vand.u32 $0xFFFF0000, v4  }
0xc9: {  	v8 =	vmul.f32 v8, v6  }
0xca: {  	v4 =	vmul.f32 v4, v6  }
0xcb: {  	[tilespmem:v5+s26+$0x0] =	vst.idx.msk $0xffff, v8  }
0xcc: {  	[tilespmem:v7+s26+$0x0] =	vst.idx.msk $0xffff, v4  }
0xcd: {  	v4 =	vld [tilespmem:s31+$0xFFFFFED0]  }
0xce: {  	v5 =	vld [tilespmem:s31+$0xFFFFFEF0];
	_ =	sdelay $0x1  }
0xcf: {  	v7 =	vld [tilespmem:s31+$0xFFFFFF10];
	_ =	sdelay $0x1  }
0xd0: {  	v8 =	vld [tilespmem:s31+$0xFFFFFF30]  }
0xd1: {  	v4 =	vadd.bf16 v5, v4  }
0xd2: {  	v5 =	vld [tilespmem:s31+$0xFFFFFF50]  }
0xd3: {  	v4 =	vadd.bf16 v7, v4;
	_ =	sdelay $0x1  }
0xd4: {  	v4 =	vadd.bf16 v8, v4;
	_ =	sdelay $0x1  }
0xd5: {  	v4 =	vadd.bf16 v5, v4;
	v5 =	vor.u32 v2, v9  }
0xd6: {  	v7 =	vor.u32 v3, v9  }
0xd7: {  	v8 =	vshll.u32 v4, $0x10;
	v4 =	vand.u32 $0xFFFF0000, v4  }
0xd8: {  	v8 =	vmul.f32 v8, v6  }
0xd9: {  	v4 =	vmul.f32 v4, v6  }
0xda: {  	[tilespmem:v5+s26+$0x0] =	vst.idx.msk $0xffff, v8  }
0xdb: {  	[tilespmem:v7+s26+$0x0] =	vst.idx.msk $0xffff, v4  }
0xdc: {  	v4 =	vld [tilespmem:s31+$0xFFFFFF60]  }
0xdd: {  	v5 =	vld [tilespmem:s31+$0xFFFFFF80];
	_ =	sdelay $0x1  }
0xde: {  	s8 =	sadd.s32 $0x1, s3;
	v6 =	vld [tilespmem:s31+$0xFFFFFFA0]  }
0xdf: {  	v7 =	vmov s8  }
0xe0: {  	v9 =	vshll.u32 v7, $0x6;
	v8 =	vld [tilespmem:s31+$0xFFFFFFC0]  }
0xe1: {  	v4 =	vadd.bf16 v5, v4  }
0xe2: {  	v5 =	vld [tilespmem:s31+$0xFFFFFFE0]  }
0xe3: {  	v4 =	vadd.bf16 v6, v4  }
0xe4: {  	v6 =	vld.idx.msk [tilespmem:v7+s15+$0x0], $0xffff  }
0xe5: {  	v4 =	vadd.bf16 v8, v4;
	_ =	sdelay $0x1  }
0xe6: {  	v4 =	vadd.bf16 v5, v4;
	v5 =	vor.u32 v0, v9  }
0xe7: {  	v7 =	vor.u32 v1, v9  }
0xe8: {  	v8 =	vshll.u32 v4, $0x10;
	v4 =	vand.u32 $0xFFFF0000, v4  }
0xe9: {  	v8 =	vmul.f32 v8, v6  }
0xea: {  	v4 =	vmul.f32 v4, v6  }
0xeb: {  	[tilespmem:v5+s26+$0x0] =	vst.idx.msk $0xffff, v8  }
0xec: {  	[tilespmem:v7+s26+$0x0] =	vst.idx.msk $0xffff, v4  }
0xed: {  	v4 =	vld [tilespmem:s31+$0xFFFFFF70]  }
0xee: {  	v5 =	vld [tilespmem:s31+$0xFFFFFF90]  }
0xef: {  	v7 =	vld [tilespmem:s31+$0xFFFFFFB0];
	_ =	sdelay $0x2  }
0xf0: {  	v8 =	vld [tilespmem:s31+$0xFFFFFFD0]  }
0xf1: {  	v4 =	vadd.bf16 v5, v4  }
0xf2: {  	v5 =	vld [tilespmem:s31+$0xFFFFFFF0]  }
0xf3: {  	v4 =	vadd.bf16 v7, v4;
	_ =	sdelay $0x1  }
0xf4: {  	v4 =	vadd.bf16 v8, v4;
	_ =	sdelay $0x1  }
0xf5: {  	v4 =	vadd.bf16 v5, v4;
	v5 =	vor.u32 v2, v9  }
0xf6: {  	v7 =	vor.u32 v3, v9  }
0xf7: {  	v8 =	vshll.u32 v4, $0x10  }
0xf8: {  	v4 =	vand.u32 $0xFFFF0000, v4;
	v8 =	vmul.f32 v8, v6  }
0xf9: {  	v4 =	vmul.f32 v4, v6  }
0xfa: {  	[tilespmem:v5+s26+$0x0] =	vst.idx.msk $0xffff, v8  }
0xfb: {  	[tilespmem:v7+s26+$0x0] =	vst.idx.msk $0xffff, v4  }
0xfc: {  	v4 =	vld [tilespmem:s31+$0x0]  }
0xfd: {  	v5 =	vld [tilespmem:s31+$0x20];
	_ =	sdelay $0x1  }
0xfe: {  	s8 =	sadd.s32 $0x2, s3;
	v6 =	vld [tilespmem:s31+$0x40]  }
0xff: {  	v7 =	vmov s8  }
0x100: {  	v9 =	vshll.u32 v7, $0x6;
	v8 =	vld [tilespmem:s31+$0x60]  }
0x101: {  	v4 =	vadd.bf16 v5, v4  }
0x102: {  	v5 =	vld [tilespmem:s31+$0x80]  }
0x103: {  	v4 =	vadd.bf16 v6, v4  }
0x104: {  	v6 =	vld.idx.msk [tilespmem:v7+s15+$0x0], $0xffff  }
0x105: {  	v4 =	vadd.bf16 v8, v4;
	_ =	sdelay $0x1  }
0x106: {  	v4 =	vadd.bf16 v5, v4;
	v5 =	vor.u32 v0, v9  }
0x107: {  	v7 =	vor.u32 v1, v9  }
0x108: {  	v8 =	vshll.u32 v4, $0x10;
	v4 =	vand.u32 $0xFFFF0000, v4  }
0x109: {  	v8 =	vmul.f32 v8, v6  }
0x10a: {  	v4 =	vmul.f32 v4, v6  }
0x10b: {  	[tilespmem:v5+s26+$0x0] =	vst.idx.msk $0xffff, v8  }
0x10c: {  	[tilespmem:v7+s26+$0x0] =	vst.idx.msk $0xffff, v4  }
0x10d: {  	v4 =	vld [tilespmem:s31+$0x10]  }
0x10e: {  	v5 =	vld [tilespmem:s31+$0x30]  }
0x10f: {  	v7 =	vld [tilespmem:s31+$0x50]  }
0x110: {  	v8 =	vld [tilespmem:s31+$0x70]  }
0x111: {  	v10 =	vld [tilespmem:s31+$0x90];
	_ =	sdelay $0x1  }
0x112: {  	v4 =	vadd.bf16 v5, v4;
	_ =	sdelay $0x1  }
0x113: {  	v4 =	vadd.bf16 v7, v4;
	_ =	sdelay $0x1  }
0x114: {  	v4 =	vadd.bf16 v8, v4;
	_ =	sdelay $0x1  }
0x115: {  	v5 =	vor.u32 v2, v9;
	v4 =	vadd.bf16 v10, v4  }
0x116: {  	v7 =	vor.u32 v3, v9  }
0x117: {  	v8 =	vshll.u32 v4, $0x10;
	v4 =	vand.u32 $0xFFFF0000, v4  }
0x118: {  	v8 =	vmul.f32 v8, v6  }
0x119: {  	v4 =	vmul.f32 v4, v6  }
0x11a: {  	[tilespmem:v5+s26+$0x0] =	vst.idx.msk $0xffff, v8  }
0x11b: {  	s3 =	sadd.s32 $0x3, s3;
	[tilespmem:v7+s26+$0x0] =	vst.idx.msk $0xffff, v4  }
0x11c: {  	v4 =	vmov s3;
	v6 =	vld [tilespmem:s31+$0xA0]  }
0x11d: {  	v5 =	vshll.u32 v4, $0x6;
	v7 =	vld [tilespmem:s31+$0xC0]  }
0x11e: {  	v8 =	vld [tilespmem:s31+$0xE0]  }
0x11f: {  	v9 =	vld [tilespmem:s31+$0x100]  }
0x120: {  	v10 =	vld [tilespmem:s31+$0x120]  }
0x121: {  	v4 =	vld.idx.msk [tilespmem:v4+s15+$0x0], $0xffff  }
0x122: {  	v6 =	vadd.bf16 v7, v6;
	_ =	sdelay $0x1  }
0x123: {  	v6 =	vadd.bf16 v8, v6;
	_ =	sdelay $0x1  }
0x124: {  	v6 =	vadd.bf16 v9, v6;
	_ =	sdelay $0x1  }
0x125: {  	v7 =	vor.u32 v0, v5;
	v6 =	vadd.bf16 v10, v6  }
0x126: {  	v8 =	vor.u32 v1, v5  }
0x127: {  	v9 =	vshll.u32 v6, $0x10;
	v6 =	vand.u32 $0xFFFF0000, v6  }
0x128: {  	v9 =	vmul.f32 v9, v4  }
0x129: {  	v6 =	vmul.f32 v6, v4  }
0x12a: {  	[tilespmem:v7+s26+$0x0] =	vst.idx.msk $0xffff, v9  }
0x12b: {  	[tilespmem:v8+s26+$0x0] =	vst.idx.msk $0xffff, v6  }
0x12c: {  	v8 =	vld [tilespmem:s31+$0xB0]  }
0x12d: {  	v9 =	vld [tilespmem:s31+$0xD0]  }
0x12e: {  	v10 =	vld [tilespmem:s31+$0xF0]  }
0x12f: {  	v7 =	vld [tilespmem:s31+$0x110]  }
.Ltmp0:
0x130: {  	v6 =	vld [tilespmem:s31+$0x130];
	(pc) =	sbr.rel @p0 .LBB2_3-.Ltmp0, $3  }
0x131: {  	_ = 	snop  }
0x132: {  	v8 =	vadd.bf16 v9, v8;
	_ =	sdelay $0x1  }
0x133: {  	v8 =	vadd.bf16 v10, v8  }
0x134: {  	_ = 	snop  }
0x135: {  	v7 =	vadd.bf16 v7, v8;
	_ =	sdelay $0x1  }
0x136: {  	v63 =	vor.u32 v2, v5;
	v6 =	vadd.bf16 v6, v7  }
0x137: {  	v5 =	vor.u32 v3, v5  }
0x138: {  	v7 =	vshll.u32 v6, $0x10  }
0x139: {  	s0 =	sshll.u32 s30, $0x6;
	v6 =	vand.u32 $0xFFFF0000, v6;
	v7 =	vmul.f32 v7, v4  }
0x13a: {  	s29 =	sadd.s32 $0x1, s29;
	s0 =	sadd.s32 s11, s0;
	v4 =	vmul.f32 v6, v4  }
0x13b: {  	p0 =	sne.s32 s29, $0x64;
	s0 =	sshrl.u32 s0, $0x3;
	[tilespmem:v63+s26+$0x0] =	vst.idx.msk $0xffff, v7  }
.Ltmp1:
0x13c: {  	s0 =	sadd.s32 s6, s0;
	[tilespmem:v5+s26+$0x0] =	vst.idx.msk $0xffff, v4;
	(pc) =	sbr.rel @p0 .LBB2_2-.Ltmp1, $4  }
0x13d: {  	[hbm4b:s0+s2] =	stream.linear.scatter [tilespmem:s26], [sflag:$0x2], $0x2000, $0x38;
	[tilespmem:$0x1F9C0] =	vst v63  }
0x13e: {  	_ =	swait.ge [sflag:s14], $0x2000  }
0x13f: {  	[sflag:s14] =	ssyncset.done $0x0  }
0x140: {  	[sflag:s14] =	ssyncadd.s32 $0xFFFFE000  }
0x141: {  	s28 =	sadd.s32 $0x1, s28  }
0x142: {  	p0 =	sne.s32 s28, s12  }
.Ltmp2:
0x143: {  	_ = 	snop;
	(pc) =	sbr.rel @p0 .LBB2_1-.Ltmp2, $1  }
0x144: {  	_ =	sdelay $0x3  }
0x145: {  	_ =	sfence.sel $0x180000  }
0x146: {  	[bflag:$0x0] =	sbarrier.arrive $0xFFFF  }
0x147: {  	_ =	strace $0x9000004A  }
0x148: {  	s0 =	stileid.u32;
	[bflag:$0x2] =	sbarrier.arrive $0xFFFF  }
0x149: {  	p0 =	sne.s32 s0, $0x0;
	s0 =	rddreg [dreg:$0x3]  }
0x14a: {  	s0 =	sadd.s32 @!p0 $0x100000, s0  }
0x14b: {  	[sflag:s0] =	ssyncadd.tile.s32 @!p0 $0x1;
	_ =	shalt  }
.Lfunc_end2:
_tile_overlayer_lowered:
.L_overlay_start_2:
0x14c: {  	(tag) =	ssettag $0x2  }
0x14d: {  	s0 =	rddreg [dreg:$0x0];
	s2 =	stileid.u32  }
0x14e: {  	s1 =	rddreg [dreg:$0x1];
	p0 =	sne.s32 s2, $0x0  }
0x14f: {  	s3 =	rddreg [dreg:$0x2];
	[bflag:$0x3] =	sbarrier.arrive $0xFFFF;
	s2 =	simm.s32 @!p0 $0x1C02  }
0x150: {  	[timem:s3], [sflag:s2] =	dma.local @!p0 [hbm:s0], s1  }
0x151: {  	s0 =	simm.s32 @!p0 $0x2  }
0x152: {  	_ =	swait.ge @!p0 [sflag:s0], s1  }
0x153: {  	s1 =	ssub.s32 @!p0 $0x0, s1;
	[sflag:s0] =	ssyncset.done @!p0 $0x0  }
0x154: {  	[sflag:s0] =	ssyncadd.s32 @!p0 s1  }
0x155: {  	[bflag:$0x3] =	sbarrier.arrive $0xFFFF  }
0x156: {  	_ =	shalt  }

// kernel: sparse-core-data-format-call.cloned.1.call-start
scs
called_computation_lowered:
.L_overlay_start_0:
0x0: {  	s2 =	sld [smem:$0x3FD9]  }
0x1: {  	s3 =	sld [smem:$0x3FFE];
	_ =	sdelay $0x1  }
0x2: {  	s1 =	srdreg.scid  }
0x3: {  	s0 =	sand.u32 $0x1, s1  }
0x4: {  	s18 =	sshll.u32 s0, $0xA;
	s2 =	sadd.s32 s3, s2  }
0x5: {  	s2 =	sadd.s32 s2, s18  }
0x6: {  	[smem:$0x3FC5] =	sst s2  }
0x7: {  	_ = 	snop  }
0x8: {  	s2 =	sld [smem:$0x3FD0];
	(tm) =	ssettm $0x1  }
0x9: {  	s19 =	sld [smem:$0x3FFB];
	_ =	sdelay $0x3  }
0xa: {  	_ =	strace s19  }
0xb: {  	s3 =	sld [smem:$0x3FFC];
	_ =	sdelay $0x3  }
0xc: {  	_ =	strace s3  }
0xd: {  	s3 =	sld [smem:$0x3FFD];
	_ =	sdelay $0x3  }
0xe: {  	_ =	strace s3  }
0xf: {  	_ =	strace $0x8FFFFFFF  }
0x10: {  	s20 =	sld [smem:$0x3FDB];
	_ =	sdelay $0x1  }
0x11: {  	s4 =	simm.s32 $_scs_section_size  }
0x12: {  	s5 =	simm.s32 $_size__tile_overlayer_lowered;
	s6 =	simm.s32 $_tile_overlayer_lowered  }
0x13: {  	s23 =	simm.s32 $0x1BFF;
	s22 =	sshll.u32 s6, $0x1;
	s3 =	sadd.s32 s4, s20  }
0x14: {  	s7 =	simm.s32 $0x0;
	s21 =	sshll.u32 s5, $0x1;
	s5 =	sadd.s32 s22, s3  }
0x15: {  	[timem:s7], [sflag:s23] =	dma.local [hbm:s5], s21  }
0x16: {  	_ =	swait.ge [sflag:s23], s21  }
0x17: {  	s4 =	ssub.s32 $0x0, s21;
	[sflag:s23] =	ssyncset.done $0x0  }
0x18: {  	[sflag:s23] =	ssyncadd.s32 s4;
	_ =	sdelay $0x1  }
0x19: {  	s24 =	simm.s32 $0x1B8B  }
0x1a: {  	_ =	swait.ge [sflag:s24], $0x1  }
0x1b: {  	[sflag:s24] =	ssyncset.done $0x0  }
0x1c: {  	s26 =	simm.s32 $0x1B8E;
	s25 =	sld [smem:$0x3FFE];
	[sflag:s24] =	ssyncadd.s32 $0xFFFFFFFF  }
0x1d: {  	s27 =	simm.s32 $execute0_lowered;
	[smem:$0x3FD2] =	sst s26  }
0x1e: {  	s5 =	sshll.u32 s27, $0x1;
	_ =	strace $0x8000004C;
	[dreg:$0x1] =	wrdreg $0xFFFFFFFF  }
0x1f: {  	s28 =	simm.s32 $_size_execute0_lowered;
	s3 =	sadd.s32 s3, s5;
	[dreg:$0x0] =	wrdreg $0x0  }
0x20: {  	s5 =	sshll.u32 s28, $0x1;
	[dreg:$0x2] =	wrdreg s3  }
0x21: {  	[dreg:$0x3] =	wrdreg s5  }
0x22: {  	[dreg:$0x4] =	wrdreg $0xC0  }
0x23: {  	_ =	task [dreg:s7], $0x5FFFF  }
0x24: {  	[dreg:$0x1] =	wrdreg $0xFFFFFFFF  }
0x25: {  	[dreg:$0x0] =	wrdreg $0x60  }
0x26: {  	[dreg:$0x2] =	wrdreg s25  }
0x27: {  	[dreg:$0x3] =	wrdreg s2  }
0x28: {  	[dreg:$0x4] =	wrdreg $0x9  }
0x29: {  	_ =	task.clear_ibuf [dreg:s7], $0x5FFFF;
	_ =	strace $0x9000004C  }
0x2a: {  	s29 =	simm.s32 $0x9;
	_ =	strace $0x8000004E  }
0x2b: {  	_ =	swait.ge [sflag:s29], $0x1  }
0x2c: {  	[sflag:s29] =	ssyncadd.s32 $0xFFFFFFFF  }
0x2d: {  	_ =	strace $0x9000004E  }
0x2e: {  	_ =	sfence  }
0x2f: {  	s30 =	sld [smem:$0x0];
	_ =	sdelay $0x2  }
0x30: {  	s31 =	sshll.u32 s1, $0xD;
	s1 =	sshrl.u32 s1, $0x2  }
0x31: {  	s3 =	sand.u32 $0x4000, s31;
	s1 =	sadd.s32 s1, s30  }
0x32: {  	s0 =	sor.u32 s3, s0;
	s1 =	sshll.u32 s1, $0x11  }
0x33: {  	s0 =	sor.u32 s1, s0  }
0x34: {  	s0 =	sadd.s32 $0x8F2B, s0  }
0x35: {  	[sflag:s0] =	ssyncadd.remote.s32 $0x1  }
0x36: {  	_ =	sfence.sel $0xFFFF  }
0x37: {  	[dreg:$0x0] =	wrdreg $0xFFFFFFFF;
	(pc) =	sbr.abs _section_cstart, $3  }
0x38: {  	[dreg:$0x1] =	wrdreg $0xFFFFFFFF  }
0x39: {  	_ =	task.clear_ibuf [dreg:s7], $0x2FFFF;
	_ =	strace $0x9FFFFFFF  }
0x3a: {  	(tm) =	ssettm $0x7FFFFFFF  }
0x3b: {  	_ =	shalt  }
tec
execute0_lowered:
.L_overlay_start_1:
0x0: {  	(tag) =	ssettag $0x1  }
0x1: {  	s0 =	srdreg.scid  }
0x2: {  	s1 =	sshll.u32 s0, $0x4  }
0x3: {  	s0 =	stileid.u32;
	s1 =	sand.u32 $0x10, s1  }
0x4: {  	s1 =	sor.u32 s0, s1  }
0x5: {  	s6 =	rddreg [dreg:$0x0];
	s4 =	simm.s32 $0x1;
	s2 =	sshll.u32 s1, $0x7  }
0x6: {  	s7 =	simm.s32 $0x2;
	s12 =	simm.s32 $0x0;
	s1 =	ssub.s32 $0x1000, s2  }
0x7: {  	s8 =	simm.s32 $0x8000;
	s13 =	simm.s32 $0x0;
	s3 =	sand.u32 $0xF80, s1  }
0x8: {  	s9 =	simm.s32 $0x0;
	s5 =	sshrl.u32 s1, $0xC;
	p0 =	sne.s32 s3, $0x0  }
.Ltmp0:
0x9: {  	s1 =	rddreg [dreg:$0x2];
	s4 =	simm.s32 @!p0 $0x0;
	(pc) =	sbr.rel .LBB1_1-.Ltmp0, $4  }
0xa: {  	s11 =	simm.s32 $0x0;
	s3 =	rddreg [dreg:$0x1];
	s5 =	sadd.s32 s4, s5  }
0xb: {  	_ =	strace $0x8000004D;
	s4 =	simm.s32 $0x1;
	s5 =	smul.u32 $0x32, s5  }
0xc: {  	s6 =	sadd.s32 $0x322E00, s6;
	s10 =	smov.u32 s2;
	[sflag:s4] =	ssyncpa.u1 $0x0  }
0xd: {  	p0 =	por $0x0, $0x0;
	[sflag:s7] =	ssyncpa.u1 $0x0;
	s7 =	sor.u32 $0x1, s5  }
.LBB1_4:
0xe: {  	s16 =	sshll.u32 s13, $0x3;
	s17 =	sand.u32 $0x78, s13  }
0xf: {  	s30 =	sand.u32 $0x7E00, s13;
	s12 =	sshll.u32 s12, $0xF;
	s16 =	sand.u32 $0xC00, s16  }
0x10: {  	[tilespmem:s15+$0x810 ss:$0x81] =	vst.msk $0xffff, v2;
	s31 =	sand.u32 $0x7, s13;
	s16 =	sor.u32 s17, s16;
	s17 =	sadd.s32 s3, s30  }
0x11: {  	[tilespmem:s15+$0x1020 ss:$0x81] =	vst.msk $0xffff, v0;
	s13 =	sshll.u32 s31, $0x12;
	s12 =	sadd.s32 s12, s17;
	s16 =	sshrl.u32 s16, $0x3  }
0x12: {  	[tilespmem:s15+$0x0 ss:$0x81] =	vst.msk $0xffff, v1;
	s13 =	sor.u32 $0x400, s13;
	s12 =	sadd.s32 s16, s12  }
0x13: {  	[hbm4b:s12+s13] =	stream.strided.scatter [tilespmem:s14], [sflag:$0x2], $0x2000, s8, s13, $0x20;
	[tilespmem:$0x8080] =	vst v63  }
.LBB1_5:
0x14: {  	s14 =	sadd.s32 $0x1, s9  }
0x15: {  	s12 =	sadd.s32 $0x1000, s10;
	s16 =	smov.u32 s10;
	p2 =	sgt.s32 s14, $0x31  }
0x16: {  	s16 =	smov.u32 @p2 s12  }
0x17: {  	s14 =	simm.s32 @p2 $0x0;
	p2 =	sgt.s32 s16, $0xFFF  }
0x18: {  	s16 =	smov.u32 @p2 s2;
	p2 =	sne.s32 s11, s7  }
.Ltmp1:
0x19: {  	p1 =	slt.u32 s11, $0x2;
	(pc) =	sbr.rel @!p2 .LBB1_6-.Ltmp1, $4  }
0x1a: {  	s15 =	simm.s32 @!p1 $0x2  }
0x1b: {  	s13 =	smov.u32 s10;
	p0 =	por !p0, !p0;
	_ =	swait.ge @!p1 [sflag:s15], $0x2000  }
0x1c: {  	s12 =	smov.u32 s9;
	[sflag:s15] =	ssyncset.done @!p1 $0x0;
	s9 =	smov.u32 s14  }
0x1d: {  	s11 =	sadd.s32 $0x1, s11;
	[sflag:s15] =	ssyncadd.s32 @!p1 $0xFFFFE000;
	s10 =	smov.u32 s16  }
.LBB1_1:
0x1e: {  	p1 =	sge.u32 s11, s5  }
0x1f: {  	s14 =	sand.u32 @!p1 $0x1FFFFFF, s9  }
0x20: {  	s15 =	smulhi.u32 @!p1 $0x4924925, s14;
	_ =	sdelay $0x1  }
0x21: {  	s15 =	smul.u32 @!p1 $0x38, s15  }
0x22: {  	s16 =	sxor.u32 @!p1 $0xFFFFFFFF, s11;
	s17 =	smul.u32 @!p1 $0x380, s10  }
0x23: {  	s31 =	sadd.s32 $0xFFFFFFFF, s11;
	s16 =	sshll.u32 @!p1 s16, $0xD;
	s14 =	ssub.s32 @!p1 s14, s15  }
0x24: {  	s15 =	sand.u32 @!p1 $0x2000, s16;
	s16 =	sadd.s32 @!p1 s6, s17;
	s14 =	sshll.u32 @!p1 s14, $0x4  }
0x25: {  	s17 =	simm.s32 @!p1 $0x1C00;
	s14 =	sadd.s32 @!p1 s14, s16;
	s16 =	simm.s32 @!p1 $0x40  }
0x26: {  	[tilespmem:s15], [sflag:$0x1] =	stream.strided.gather @!p1 [hbm4b:s14+s16], $0x2000, s17, s16, $0x38;
	[tilespmem:$0x8080] =	vst v63  }
0x27: {  	p1 =	sge.u32 s31, s5  }
.Ltmp2:
0x28: {  	_ = 	snop;
	(pc) =	sbr.rel @p1 .LBB1_5-.Ltmp2, $1  }
0x29: {  	_ =	sdelay $0x3  }
0x2a: {  	s14 =	simm.s32 $0x1  }
0x2b: {  	_ =	swait.ge [sflag:s4], $0x2000;
	s14 =	simm.s32 @!p0 $0x0  }
0x2c: {  	[sflag:s4] =	ssyncset.done $0x0;
	s15 =	sshll.u32 s14, $0xD  }
0x2d: {  	[sflag:s4] =	ssyncadd.s32 $0xFFFFE000;
	s18 =	sor.u32 $0x20, s15  }
0x2e: {  	s14 =	smul.u32 $0x8100, s14;
	v3 =	vld [tilespmem:s18+$0x10]  }
0x2f: {  	s30 =	sand.u32 $0x1, s11;
	v2 =	vld [tilespmem:s18+$0xFFFFFFF0]  }
0x30: {  	s15 =	smul.u32 $0x8100, s30;
	s14 =	sshrl.u32 s14, $0x2;
	v0 =	vld [tilespmem:s18+$0x0]  }
0x31: {  	v1 =	vld [tilespmem:s18+$0xFFFFFFE0];
	s16 =	sor.u32 $0x4000, s14  }
0x32: {  	s31 =	sshrl.u32 s15, $0x2;
	s15 =	sadd.s32 $0x0, s16  }
0x33: {  	s17 =	simm.s32 $0x4;
	s18 =	sadd.s32 $0x40, s18;
	s14 =	sor.u32 $0x4000, s31;
	[tilespmem:s15+$0x1830 ss:$0x81] =	vst.msk $0xffff, v3  }
.LBB1_3:
0x34: {  	v3 =	vld [tilespmem:s18+$0x10];
	p1 =	sne.s32 s17, $0x1FC;
	[tilespmem:s15+$0x810 ss:$0x81] =	vst.msk $0xffff, v2;
	s19 =	smov.u32 s17;
	s17 =	sadd.s32 $0x4, s17  }
.Ltmp3:
0x35: {  	v2 =	vld [tilespmem:s18+$0xFFFFFFF0];
	[tilespmem:s15+$0x1020 ss:$0x81] =	vst.msk $0xffff, v0;
	(pc) =	sbr.rel @p1 .LBB1_3-.Ltmp3, $4  }
0x36: {  	v0 =	vld [tilespmem:s18+$0x0];
	[tilespmem:s15+$0x0 ss:$0x81] =	vst.msk $0xffff, v1  }
0x37: {  	s15 =	sshra.s32 s19, $0x2;
	v1 =	vld [tilespmem:s18+$0xFFFFFFE0]  }
0x38: {  	s15 =	sadd.s32 s15, s16  }
0x39: {  	s18 =	sadd.s32 $0x40, s18;
	[tilespmem:s15+$0x1830 ss:$0x81] =	vst.msk $0xffff, v3  }
.Ltmp4:
0x3a: {  	_ = 	snop;
	(pc) =	sbr.rel .LBB1_4-.Ltmp4, $1  }
0x3b: {  	_ =	sdelay $0x3  }
.LBB1_6:
0x3c: {  	_ =	sfence.sel $0x180000  }
0x3d: {  	s2 =	simm.s32 $0x1;
	[bflag:$0x0] =	sbarrier.arrive $0xFFFF  }
0x3e: {  	s31 =	simm.s32 $0x2;
	[sflag:s2] =	ssyncpa.u1 $0x1  }
0x3f: {  	[sflag:s31] =	ssyncpa.u1 $0x1  }
0x40: {  	p0 =	sne.s32 s0, $0x0;
	_ =	strace $0x9000004D  }
0x41: {  	s0 =	sadd.s32 @!p0 $0x100000, s1;
	[bflag:$0x2] =	sbarrier.arrive $0xFFFF  }
0x42: {  	[sflag:s0] =	ssyncadd.tile.s32 @!p0 $0x1;
	_ =	shalt  }
.Lfunc_end1:
_tile_overlayer_lowered:
.L_overlay_start_2:
0x43: {  	(tag) =	ssettag $0x2  }
0x44: {  	s0 =	rddreg [dreg:$0x0];
	s2 =	stileid.u32  }
0x45: {  	s1 =	rddreg [dreg:$0x1];
	p0 =	sne.s32 s2, $0x0  }
0x46: {  	s3 =	rddreg [dreg:$0x2];
	[bflag:$0x3] =	sbarrier.arrive $0xFFFF;
	s2 =	simm.s32 @!p0 $0x1C01  }
0x47: {  	[timem:s3], [sflag:s2] =	dma.local @!p0 [hbm:s0], s1  }
0x48: {  	s0 =	simm.s32 @!p0 $0x1  }
0x49: {  	_ =	swait.ge @!p0 [sflag:s0], s1  }
0x4a: {  	s1 =	ssub.s32 @!p0 $0x0, s1;
	[sflag:s0] =	ssyncset.done @!p0 $0x0  }
0x4b: {  	[sflag:s0] =	ssyncadd.s32 @!p0 s1  }
0x4c: {  	[bflag:$0x3] =	sbarrier.arrive $0xFFFF  }
0x4d: {  	_ =	shalt  }

</sc_bundles>
